<compile_context>
chip_gen: v7x
topology: tpu7x:2x2x1
jax: 0.10.2.dev20260603
libtpu: 0.0.44.dev20260713+nightly
codegen_flags: <defaults>
</compile_context>

<pallas_src>
import functools

import jax
import jax.numpy as jnp
from jax import lax
from jax.experimental import pallas as pl
from jax.experimental.pallas import tpu as pltpu
from jax.experimental.pallas import tpu_sc as plsc

NUM_EXPERT = 8
EMBED_DIM = 768
FFN_DIM = 469
TILE = 256


@functools.lru_cache(maxsize=None)
def _sc_row_gather(n_rows_table, n_idx, dim):
    info = plsc.get_sparse_core_info()
    nc, ns = info.num_cores, info.num_subcores
    nw = nc * ns
    assert n_idx % nw == 0
    b_per_w = n_idx // nw
    chunk = 64
    assert b_per_w % chunk == 0
    n_chunks = b_per_w // chunk
    assert n_chunks >= 2
    mesh = plsc.VectorSubcoreMesh(core_axis_name="c", subcore_axis_name="s")

    @functools.partial(
        pl.kernel,
        mesh=mesh,
        out_type=jax.ShapeDtypeStruct((n_idx, dim), jnp.float32),
        scratch_types=[
            pltpu.VMEM((chunk,), jnp.int32),
            pltpu.VMEM((chunk,), jnp.int32),
            pltpu.VMEM((chunk, dim), jnp.float32),
            pltpu.VMEM((chunk, dim), jnp.float32),
            pltpu.SemaphoreType.DMA,
            pltpu.SemaphoreType.DMA,
            pltpu.SemaphoreType.DMA,
            pltpu.SemaphoreType.DMA,
        ],
    )
    def gather_k(table_hbm, idx_hbm, out_hbm, i0, i1, r0, r1, g0, g1, w0, w1):
        wid = lax.axis_index("s") * nc + lax.axis_index("c")
        base = wid * b_per_w
        idx_v = [i0, i1]
        rows_v = [r0, r1]
        gsem = [g0, g1]
        wsem = [w0, w1]
        gh = [None, None]
        wh = [None, None]
        for c in range(n_chunks):
            b = c & 1
            off = base + c * chunk
            if c >= 2:
                wh[b].wait()
            pltpu.sync_copy(idx_hbm.at[pl.ds(off, chunk)], idx_v[b])
            gh[b] = pltpu.async_copy(table_hbm.at[idx_v[b]], rows_v[b], gsem[b])
            if c >= 1:
                bp = (c - 1) & 1
                gh[bp].wait()
                wh[bp] = pltpu.async_copy(
                    rows_v[bp],
                    out_hbm.at[pl.ds(base + (c - 1) * chunk, chunk)],
                    wsem[bp],
                )
        bl = (n_chunks - 1) & 1
        gh[bl].wait()
        wh[bl] = pltpu.async_copy(
            rows_v[bl],
            out_hbm.at[pl.ds(base + (n_chunks - 1) * chunk, chunk)],
            wsem[bl],
        )
        wh[bl ^ 1].wait()
        wh[bl].wait()

    return gather_k


@functools.lru_cache(maxsize=None)
def _sc_row_scatter(n_rows_out, n_idx, dim):
    info = plsc.get_sparse_core_info()
    nc, ns = info.num_cores, info.num_subcores
    nw = nc * ns
    assert n_idx % nw == 0
    b_per_w = n_idx // nw
    chunk = 64
    assert b_per_w % chunk == 0
    n_chunks = b_per_w // chunk
    assert n_chunks >= 2
    mesh = plsc.VectorSubcoreMesh(core_axis_name="c", subcore_axis_name="s")

    @functools.partial(
        pl.kernel,
        mesh=mesh,
        out_type=jax.ShapeDtypeStruct((n_rows_out, dim), jnp.float32),
        scratch_types=[
            pltpu.VMEM((chunk,), jnp.int32),
            pltpu.VMEM((chunk,), jnp.int32),
            pltpu.VMEM((chunk, dim), jnp.float32),
            pltpu.VMEM((chunk, dim), jnp.float32),
            pltpu.SemaphoreType.DMA,
            pltpu.SemaphoreType.DMA,
        ],
    )
    def scatter_k(rows_hbm, idx_hbm, out_hbm, i0, i1, r0, r1, s0, s1):
        wid = lax.axis_index("s") * nc + lax.axis_index("c")
        base = wid * b_per_w
        idx_v = [i0, i1]
        rows_v = [r0, r1]
        sems = [s0, s1]
        sh = [None, None]
        for c in range(n_chunks):
            b = c & 1
            off = base + c * chunk
            if c >= 2:
                sh[b].wait()
            pltpu.sync_copy(idx_hbm.at[pl.ds(off, chunk)], idx_v[b])
            pltpu.sync_copy(rows_hbm.at[pl.ds(off, chunk)], rows_v[b])
            sh[b] = pltpu.async_copy(rows_v[b], out_hbm.at[idx_v[b]], sems[b])
        bl = (n_chunks - 1) & 1
        sh[bl ^ 1].wait()
        sh[bl].wait()

    return scatter_k


GATE_BLK = 2048


def _lane_prefix_sum(v):
    li = lax.broadcasted_iota(jnp.int32, v.shape, 1)
    sh = 1
    while sh < v.shape[1]:
        rolled = pltpu.roll(v, sh, 1)
        v = v + jnp.where(li >= sh, rolled, 0)
        sh *= 2
    return v


def _gate_book_body(n_tiles, x_ref, gw_ref, gb_ref, inv_ref, te_ref,
                    eid_s, rank_s, carry_s, starts_s):
    i = pl.program_id(0)
    j = pl.program_id(1)
    e = NUM_EXPERT

    @pl.when(jnp.logical_and(i == 0, j == 0))
    def _init():
        carry_s[...] = jnp.zeros_like(carry_s)

    io8 = lax.broadcasted_iota(jnp.int32, (e, GATE_BLK), 0)

    @pl.when(i == 0)
    def _pass0():
        logits_t = lax.dot_general(
            gw_ref[...], x_ref[...], (((1,), (1,)), ((), ())),
            preferred_element_type=jnp.float32,
        ) + gb_ref[...].reshape(e, 1)
        m = jnp.max(logits_t, axis=0, keepdims=True)
        cand = jnp.where(logits_t >= m, io8, e)
        amin = jnp.min(cand, axis=0, keepdims=True)
        onehot = (io8 == amin).astype(jnp.int32)
        csum = _lane_prefix_sum(onehot)
        rank_local = jnp.sum(onehot * csum, axis=0, keepdims=True) - 1
        rank_glob = rank_local + jnp.sum(
            onehot * carry_s[...], axis=0, keepdims=True
        )
        eid = jnp.sum(onehot * io8, axis=0, keepdims=True)
        eid_s[pl.ds(j, 1), :] = eid
        rank_s[pl.ds(j, 1), :] = rank_glob
        carry_s[...] = carry_s[...] + csum[:, GATE_BLK - 1:GATE_BLK]

    @pl.when(i == 1)
    def _pass1():
        @pl.when(j == 0)
        def _starts():
            counts = carry_s[...]
            aligned = ((counts + TILE - 1) // TILE) * TILE
            fe = lax.broadcasted_iota(jnp.int32, (e, e), 1)
            ee = lax.broadcasted_iota(jnp.int32, (e, e), 0)
            al_t = jnp.transpose(jnp.broadcast_to(aligned.reshape(e, 1), (e, e)))
            starts = jnp.sum(jnp.where(fe < ee, al_t, 0), axis=1, keepdims=True)
            starts_s[...] = starts
            tb = lax.broadcasted_iota(jnp.int32, (e, n_tiles), 1) * TILE
            te = jnp.sum((tb >= starts).astype(jnp.int32), axis=0, keepdims=True) - 1
            te_ref[...] = jnp.clip(te, 0, e - 1)

        eid = eid_s[pl.ds(j, 1), :]
        onehot = (io8 == eid).astype(jnp.int32)
        start_tok = jnp.sum(onehot * starts_s[...], axis=0, keepdims=True)
        inv_ref[...] = (start_tok + rank_s[pl.ds(j, 1), :]).reshape(
            1, 1, GATE_BLK
        )


def _gate_book(x_flat, gate_w, gate_b, n_tiles):
    n = x_flat.shape[0]
    nb = n // GATE_BLK
    inv, te = pl.pallas_call(
        functools.partial(_gate_book_body, n_tiles),
        grid=(2, nb),
        in_specs=[
            pl.BlockSpec((GATE_BLK, EMBED_DIM), lambda i, j: ((1 - i) * j, 0)),
            pl.BlockSpec((NUM_EXPERT, EMBED_DIM), lambda i, j: (0, 0)),
            pl.BlockSpec((1, NUM_EXPERT), lambda i, j: (0, 0)),
        ],
        out_specs=[
            pl.BlockSpec((1, 1, GATE_BLK), lambda i, j: (j, 0, 0)),
            pl.BlockSpec((1, n_tiles), lambda i, j: (0, 0)),
        ],
        out_shape=[
            jax.ShapeDtypeStruct((nb, 1, GATE_BLK), jnp.int32),
            jax.ShapeDtypeStruct((1, n_tiles), jnp.int32),
        ],
        scratch_shapes=[
            pltpu.VMEM((nb, GATE_BLK), jnp.int32),
            pltpu.VMEM((nb, GATE_BLK), jnp.int32),
            pltpu.VMEM((NUM_EXPERT, 1), jnp.int32),
            pltpu.VMEM((NUM_EXPERT, 1), jnp.int32),
        ],
    )(x_flat, gate_w, gate_b.reshape(1, NUM_EXPERT))
    return inv.reshape(n), te.reshape(n_tiles)


def _moe_body(te_ref, x_ref, w1_ref, w2_ref, w3_ref, o_ref):
    e = te_ref[pl.program_id(0)]
    x = x_ref[...]
    h1 = lax.dot_general(
        x, w1_ref[e], (((1,), (1,)), ((), ())),
        preferred_element_type=jnp.float32,
    )
    h2 = lax.dot_general(
        x, w2_ref[e], (((1,), (1,)), ((), ())),
        preferred_element_type=jnp.float32,
    )
    h = h1 * jax.nn.sigmoid(h1) * h2
    o_ref[...] = lax.dot_general(
        h, w3_ref[e], (((1,), (1,)), ((), ())),
        preferred_element_type=jnp.float32,
    )


def _grouped_ffn(tile_expert, x_sorted, fc1_w, fc2_w, fc3_w):
    p = x_sorted.shape[0]
    grid = p // TILE
    return pl.pallas_call(
        _moe_body,
        grid_spec=pltpu.PrefetchScalarGridSpec(
            num_scalar_prefetch=1,
            grid=(grid,),
            in_specs=[
                pl.BlockSpec((TILE, EMBED_DIM), lambda g, te: (g, 0)),
                pl.BlockSpec(
                    (NUM_EXPERT, FFN_DIM, EMBED_DIM), lambda g, te: (0, 0, 0)
                ),
                pl.BlockSpec(
                    (NUM_EXPERT, FFN_DIM, EMBED_DIM), lambda g, te: (0, 0, 0)
                ),
                pl.BlockSpec(
                    (NUM_EXPERT, EMBED_DIM, FFN_DIM), lambda g, te: (0, 0, 0)
                ),
            ],
            out_specs=pl.BlockSpec((TILE, EMBED_DIM), lambda g, te: (g, 0)),
        ),
        out_shape=jax.ShapeDtypeStruct((p, EMBED_DIM), jnp.float32),
    )(tile_expert, x_sorted, fc1_w, fc2_w, fc3_w)


def kernel(x, gate_w, gate_b, fc1_w, fc2_w, fc3_w):
    b, s, d = x.shape
    n = b * s
    e = NUM_EXPERT
    p = n + (e - 1) * TILE
    x_flat = x.reshape(n, d)

    inv_perm, tile_expert = _gate_book(x_flat, gate_w, gate_b, p // TILE)

    x_sorted = _sc_row_scatter(p, n, d)(x_flat, inv_perm)
    out_sorted = _grouped_ffn(tile_expert, x_sorted, fc1_w, fc2_w, fc3_w)
    out_flat = _sc_row_gather(p, n, d)(out_sorted, inv_perm)
    return out_flat.reshape(b, s, d)

# --- scband reference (transcript-rebuilt; emitter-appended) ---
"""Pipeline reference for scband-mo-e-88416196755615 (READ-ONLY COPY).

The authoritative reference and input builder live on the scoring server;
editing this copy changes nothing except your own understanding.
"""

import jax, jax.numpy as jnp
import numpy as np

NUM_EXPERT = 8
TOP_K = 1
EMBED_DIM = 768
MOE_INTERMEDIATE = 469


def setup_inputs(seed: int = 0) -> dict:
    key = jax.random.key(seed)
    ks = jax.random.split(key, 6)
    x = jax.random.normal(ks[0], (4, 2048, EMBED_DIM), dtype=jnp.float32)
    gate_w = jax.random.normal(ks[1], (NUM_EXPERT, EMBED_DIM), dtype=jnp.float32) * 0.02
    gate_b = jnp.zeros((NUM_EXPERT,), dtype=jnp.float32)
    fc1_w = jax.random.normal(ks[2], (NUM_EXPERT, MOE_INTERMEDIATE, EMBED_DIM), dtype=jnp.float32) * 0.02
    fc2_w = jax.random.normal(ks[3], (NUM_EXPERT, MOE_INTERMEDIATE, EMBED_DIM), dtype=jnp.float32) * 0.02
    fc3_w = jax.random.normal(ks[4], (NUM_EXPERT, EMBED_DIM, MOE_INTERMEDIATE), dtype=jnp.float32) * 0.02
    return {"x": x, "gate_w": gate_w, "gate_b": gate_b, "fc1_w": fc1_w, "fc2_w": fc2_w, "fc3_w": fc3_w}


def reference(x, gate_w, gate_b, fc1_w, fc2_w, fc3_w):
    # gate: linear [b, s, E]
    gate = jnp.einsum('bsd,ed->bse', x, gate_w) + gate_b
    values, indices = jax.lax.top_k(gate, TOP_K)
    probs = jax.nn.softmax(values, axis=-1)
    b, s, d = x.shape
    x_flat = x.reshape(b * s, d)
    indices_f = indices.reshape(-1, TOP_K)
    probs_f = probs.reshape(-1, TOP_K)
    out_flat = jnp.zeros((b * s, EMBED_DIM), dtype=x.dtype)
    for expert_id in range(NUM_EXPERT):
        # per-token routing weight for this expert (0 if not routed)
        mask = (indices_f == expert_id)
        w = jnp.sum(jnp.where(mask, probs_f, 0.0), axis=-1)  # [N]
        hidden = jax.nn.silu(x_flat @ fc1_w[expert_id].T) * (x_flat @ fc2_w[expert_id].T)
        out = hidden @ fc3_w[expert_id].T
        out_flat = out_flat + out * w[:, None]
    return out_flat.reshape(b, s, EMBED_DIM)

if __name__ == "__main__":
    import jax
    _d = setup_inputs()
    print(jax.jit(kernel)(*tuple(_d.values())))

</pallas_src>

<mosaic_0001>
#map = affine_map<(d0, d1) -> (0, 0)>
#map1 = affine_map<(d0, d1) -> (0)>
module attributes {stable_mosaic.version = 14 : i64} {
  func.func @gather_k(%arg0: i32, %arg1: i32, %arg2: memref<9984x768xf32, #tpu.memory_space<hbm>>, %arg3: memref<8192xi32, #tpu.memory_space<hbm>>, %arg4: memref<8192x768xf32, #tpu.memory_space<hbm>>, %arg5: memref<64xi32, #tpu.memory_space<vmem>>, %arg6: memref<64xi32, #tpu.memory_space<vmem>>, %arg7: memref<64x768xf32, #tpu.memory_space<vmem>>, %arg8: memref<64x768xf32, #tpu.memory_space<vmem>>, %arg9: memref<!tpu.dma_semaphore, #tpu.memory_space<semaphore_mem>>, %arg10: memref<!tpu.dma_semaphore, #tpu.memory_space<semaphore_mem>>, %arg11: memref<!tpu.dma_semaphore, #tpu.memory_space<semaphore_mem>>, %arg12: memref<!tpu.dma_semaphore, #tpu.memory_space<semaphore_mem>>) attributes {dimension_semantics = [#tpu.dimension_semantics<core_parallel>, #tpu.dimension_semantics<subcore_parallel>], iteration_bounds = array<i64: 2, 16>, scalar_prefetch = 0 : i64, scratch_operands = 8 : i64, tpu.core_type = #tpu.core_type<sc_vector_subcore>, window_params = [{transform_indices = #map}, {transform_indices = #map1}, {transform_indices = #map}]} {
    %mul3A = arith.constant 2 : i32
    %mul3A_0 = arith.muli %arg1, %mul3A : i32
    %add3A = arith.addi %mul3A_0, %arg0 : i32
    %mul3A_1 = arith.constant 256 : i32
    %mul3A_2 = arith.muli %add3A, %mul3A_1 : i32
    %add3A_3 = arith.constant 0 : i32
    %add3A_4 = arith.addi %mul3A_2, %add3A_3 : i32
    "tpu.region"() ({
      %run_scoped3A = tpu.sem_alloc : memref<!tpu.dma_semaphore, #tpu.memory_space<semaphore_mem>>
      %dma_start3A_73 = tpu.memref_slice %arg3[%add3A_4] : memref<8192xi32, #tpu.memory_space<hbm>> -> memref<64xi32, #tpu.memory_space<hbm>>
      %dma_start3A_74 = tpu.memref_slice %arg3[%add3A_4] : memref<8192xi32, #tpu.memory_space<hbm>> -> memref<64xi32, #tpu.memory_space<hbm>>
      tpu.enqueue_dma source(%dma_start3A_74 : memref<64xi32, #tpu.memory_space<hbm>>) target(%arg5 : memref<64xi32, #tpu.memory_space<vmem>>) target_semaphore(%run_scoped3A : memref<!tpu.dma_semaphore, #tpu.memory_space<semaphore_mem>>)
      %dma_wait3A_75 = tpu.memref_slice %arg3[%add3A_4] : memref<8192xi32, #tpu.memory_space<hbm>> -> memref<64xi32, #tpu.memory_space<hbm>>
      %dma_wait3A_76 = tpu.memref_slice %arg3[%add3A_4] : memref<8192xi32, #tpu.memory_space<hbm>> -> memref<64xi32, #tpu.memory_space<hbm>>
      tpu.wait_dma2 semaphore(%run_scoped3A : memref<!tpu.dma_semaphore, #tpu.memory_space<semaphore_mem>>) src(%dma_wait3A_76 : memref<64xi32, #tpu.memory_space<hbm>>) dst(%arg5 : memref<64xi32, #tpu.memory_space<vmem>>)
      tpu.yield
    }) : () -> ()
    %dma_start3A = arith.constant 0 : i32
    %dma_start3A_5 = arith.constant 0 : i32
    %dma_start3A_6 = tpu.memref_slice %arg2[%dma_start3A, %dma_start3A_5] : memref<9984x768xf32, #tpu.memory_space<hbm>> -> memref<9984x768xf32, #tpu.memory_space<hbm>>
    tpu.enqueue_indirect_dma source(%dma_start3A_6 : memref<9984x768xf32, #tpu.memory_space<hbm>>) target(%arg7 : memref<64x768xf32, #tpu.memory_space<vmem>>) offsets(%arg5 : memref<64xi32, #tpu.memory_space<vmem>>) semaphore(%arg9 : memref<!tpu.dma_semaphore, #tpu.memory_space<semaphore_mem>>)
    %add3A_7 = arith.constant 64 : i32
    %add3A_8 = arith.addi %mul3A_2, %add3A_7 : i32
    "tpu.region"() ({
      %run_scoped3A = tpu.sem_alloc : memref<!tpu.dma_semaphore, #tpu.memory_space<semaphore_mem>>
      %dma_start3A_73 = tpu.memref_slice %arg3[%add3A_8] : memref<8192xi32, #tpu.memory_space<hbm>> -> memref<64xi32, #tpu.memory_space<hbm>>
      %dma_start3A_74 = tpu.memref_slice %arg3[%add3A_8] : memref<8192xi32, #tpu.memory_space<hbm>> -> memref<64xi32, #tpu.memory_space<hbm>>
      tpu.enqueue_dma source(%dma_start3A_74 : memref<64xi32, #tpu.memory_space<hbm>>) target(%arg6 : memref<64xi32, #tpu.memory_space<vmem>>) target_semaphore(%run_scoped3A : memref<!tpu.dma_semaphore, #tpu.memory_space<semaphore_mem>>)
      %dma_wait3A_75 = tpu.memref_slice %arg3[%add3A_8] : memref<8192xi32, #tpu.memory_space<hbm>> -> memref<64xi32, #tpu.memory_space<hbm>>
      %dma_wait3A_76 = tpu.memref_slice %arg3[%add3A_8] : memref<8192xi32, #tpu.memory_space<hbm>> -> memref<64xi32, #tpu.memory_space<hbm>>
      tpu.wait_dma2 semaphore(%run_scoped3A : memref<!tpu.dma_semaphore, #tpu.memory_space<semaphore_mem>>) src(%dma_wait3A_76 : memref<64xi32, #tpu.memory_space<hbm>>) dst(%arg6 : memref<64xi32, #tpu.memory_space<vmem>>)
      tpu.yield
    }) : () -> ()
    %dma_start3A_9 = arith.constant 0 : i32
    %dma_start3A_10 = arith.constant 0 : i32
    %dma_start3A_11 = tpu.memref_slice %arg2[%dma_start3A_9, %dma_start3A_10] : memref<9984x768xf32, #tpu.memory_space<hbm>> -> memref<9984x768xf32, #tpu.memory_space<hbm>>
    tpu.enqueue_indirect_dma source(%dma_start3A_11 : memref<9984x768xf32, #tpu.memory_space<hbm>>) target(%arg8 : memref<64x768xf32, #tpu.memory_space<vmem>>) offsets(%arg6 : memref<64xi32, #tpu.memory_space<vmem>>) semaphore(%arg10 : memref<!tpu.dma_semaphore, #tpu.memory_space<semaphore_mem>>)
    %dma_wait3A = arith.constant 0 : i32
    %dma_wait3A_12 = arith.constant 0 : i32
    %dma_wait3A_13 = tpu.memref_slice %arg2[%dma_wait3A, %dma_wait3A_12] : memref<9984x768xf32, #tpu.memory_space<hbm>> -> memref<9984x768xf32, #tpu.memory_space<hbm>>
    tpu.wait_indirect_dma semaphore(%arg9 : memref<!tpu.dma_semaphore, #tpu.memory_space<semaphore_mem>>) src(%dma_wait3A_13 : memref<9984x768xf32, #tpu.memory_space<hbm>>) dst(%arg7 : memref<64x768xf32, #tpu.memory_space<vmem>>)
    %add3A_14 = arith.constant 0 : i32
    %add3A_15 = arith.addi %mul3A_2, %add3A_14 : i32
    %dma_start3A_16 = arith.constant 0 : i32
    %dma_start3A_17 = tpu.memref_slice %arg4[%add3A_15, %dma_start3A_16] : memref<8192x768xf32, #tpu.memory_space<hbm>> -> memref<64x768xf32, #tpu.memory_space<hbm>>
    %dma_start3A_18 = arith.constant 0 : i32
    %dma_start3A_19 = tpu.memref_slice %arg4[%add3A_15, %dma_start3A_18] : memref<8192x768xf32, #tpu.memory_space<hbm>> -> memref<64x768xf32, #tpu.memory_space<hbm>>
    tpu.enqueue_dma source(%arg7 : memref<64x768xf32, #tpu.memory_space<vmem>>) target(%dma_start3A_19 : memref<64x768xf32, #tpu.memory_space<hbm>>) target_semaphore(%arg11 : memref<!tpu.dma_semaphore, #tpu.memory_space<semaphore_mem>>)
    %add3A_20 = arith.constant 128 : i32
    %add3A_21 = arith.addi %mul3A_2, %add3A_20 : i32
    %dma_wait3A_22 = arith.constant 0 : i32
    %dma_wait3A_23 = tpu.memref_slice %arg4[%add3A_15, %dma_wait3A_22] : memref<8192x768xf32, #tpu.memory_space<hbm>> -> memref<64x768xf32, #tpu.memory_space<hbm>>
    %dma_wait3A_24 = arith.constant 0 : i32
    %dma_wait3A_25 = tpu.memref_slice %arg4[%add3A_15, %dma_wait3A_24] : memref<8192x768xf32, #tpu.memory_space<hbm>> -> memref<64x768xf32, #tpu.memory_space<hbm>>
    tpu.wait_dma2 semaphore(%arg11 : memref<!tpu.dma_semaphore, #tpu.memory_space<semaphore_mem>>) src(%arg7 : memref<64x768xf32, #tpu.memory_space<vmem>>) dst(%dma_wait3A_25 : memref<64x768xf32, #tpu.memory_space<hbm>>)
    "tpu.region"() ({
      %run_scoped3A = tpu.sem_alloc : memref<!tpu.dma_semaphore, #tpu.memory_space<semaphore_mem>>
      %dma_start3A_73 = tpu.memref_slice %arg3[%add3A_21] : memref<8192xi32, #tpu.memory_space<hbm>> -> memref<64xi32, #tpu.memory_space<hbm>>
      %dma_start3A_74 = tpu.memref_slice %arg3[%add3A_21] : memref<8192xi32, #tpu.memory_space<hbm>> -> memref<64xi32, #tpu.memory_space<hbm>>
      tpu.enqueue_dma source(%dma_start3A_74 : memref<64xi32, #tpu.memory_space<hbm>>) target(%arg5 : memref<64xi32, #tpu.memory_space<vmem>>) target_semaphore(%run_scoped3A : memref<!tpu.dma_semaphore, #tpu.memory_space<semaphore_mem>>)
      %dma_wait3A_75 = tpu.memref_slice %arg3[%add3A_21] : memref<8192xi32, #tpu.memory_space<hbm>> -> memref<64xi32, #tpu.memory_space<hbm>>
      %dma_wait3A_76 = tpu.memref_slice %arg3[%add3A_21] : memref<8192xi32, #tpu.memory_space<hbm>> -> memref<64xi32, #tpu.memory_space<hbm>>
      tpu.wait_dma2 semaphore(%run_scoped3A : memref<!tpu.dma_semaphore, #tpu.memory_space<semaphore_mem>>) src(%dma_wait3A_76 : memref<64xi32, #tpu.memory_space<hbm>>) dst(%arg5 : memref<64xi32, #tpu.memory_space<vmem>>)
      tpu.yield
    }) : () -> ()
    %dma_start3A_26 = arith.constant 0 : i32
    %dma_start3A_27 = arith.constant 0 : i32
    %dma_start3A_28 = tpu.memref_slice %arg2[%dma_start3A_26, %dma_start3A_27] : memref<9984x768xf32, #tpu.memory_space<hbm>> -> memref<9984x768xf32, #tpu.memory_space<hbm>>
    tpu.enqueue_indirect_dma source(%dma_start3A_28 : memref<9984x768xf32, #tpu.memory_space<hbm>>) target(%arg7 : memref<64x768xf32, #tpu.memory_space<vmem>>) offsets(%arg5 : memref<64xi32, #tpu.memory_space<vmem>>) semaphore(%arg9 : memref<!tpu.dma_semaphore, #tpu.memory_space<semaphore_mem>>)
    %dma_wait3A_29 = arith.constant 0 : i32
    %dma_wait3A_30 = arith.constant 0 : i32
    %dma_wait3A_31 = tpu.memref_slice %arg2[%dma_wait3A_29, %dma_wait3A_30] : memref<9984x768xf32, #tpu.memory_space<hbm>> -> memref<9984x768xf32, #tpu.memory_space<hbm>>
    tpu.wait_indirect_dma semaphore(%arg10 : memref<!tpu.dma_semaphore, #tpu.memory_space<semaphore_mem>>) src(%dma_wait3A_31 : memref<9984x768xf32, #tpu.memory_space<hbm>>) dst(%arg8 : memref<64x768xf32, #tpu.memory_space<vmem>>)
    %add3A_32 = arith.constant 64 : i32
    %add3A_33 = arith.addi %mul3A_2, %add3A_32 : i32
    %dma_start3A_34 = arith.constant 0 : i32
    %dma_start3A_35 = tpu.memref_slice %arg4[%add3A_33, %dma_start3A_34] : memref<8192x768xf32, #tpu.memory_space<hbm>> -> memref<64x768xf32, #tpu.memory_space<hbm>>
    %dma_start3A_36 = arith.constant 0 : i32
    %dma_start3A_37 = tpu.memref_slice %arg4[%add3A_33, %dma_start3A_36] : memref<8192x768xf32, #tpu.memory_space<hbm>> -> memref<64x768xf32, #tpu.memory_space<hbm>>
    tpu.enqueue_dma source(%arg8 : memref<64x768xf32, #tpu.memory_space<vmem>>) target(%dma_start3A_37 : memref<64x768xf32, #tpu.memory_space<hbm>>) target_semaphore(%arg12 : memref<!tpu.dma_semaphore, #tpu.memory_space<semaphore_mem>>)
    %add3A_38 = arith.constant 192 : i32
    %add3A_39 = arith.addi %mul3A_2, %add3A_38 : i32
    %dma_wait3A_40 = arith.constant 0 : i32
    %dma_wait3A_41 = tpu.memref_slice %arg4[%add3A_33, %dma_wait3A_40] : memref<8192x768xf32, #tpu.memory_space<hbm>> -> memref<64x768xf32, #tpu.memory_space<hbm>>
    %dma_wait3A_42 = arith.constant 0 : i32
    %dma_wait3A_43 = tpu.memref_slice %arg4[%add3A_33, %dma_wait3A_42] : memref<8192x768xf32, #tpu.memory_space<hbm>> -> memref<64x768xf32, #tpu.memory_space<hbm>>
    tpu.wait_dma2 semaphore(%arg12 : memref<!tpu.dma_semaphore, #tpu.memory_space<semaphore_mem>>) src(%arg8 : memref<64x768xf32, #tpu.memory_space<vmem>>) dst(%dma_wait3A_43 : memref<64x768xf32, #tpu.memory_space<hbm>>)
    "tpu.region"() ({
      %run_scoped3A = tpu.sem_alloc : memref<!tpu.dma_semaphore, #tpu.memory_space<semaphore_mem>>
      %dma_start3A_73 = tpu.memref_slice %arg3[%add3A_39] : memref<8192xi32, #tpu.memory_space<hbm>> -> memref<64xi32, #tpu.memory_space<hbm>>
      %dma_start3A_74 = tpu.memref_slice %arg3[%add3A_39] : memref<8192xi32, #tpu.memory_space<hbm>> -> memref<64xi32, #tpu.memory_space<hbm>>
      tpu.enqueue_dma source(%dma_start3A_74 : memref<64xi32, #tpu.memory_space<hbm>>) target(%arg6 : memref<64xi32, #tpu.memory_space<vmem>>) target_semaphore(%run_scoped3A : memref<!tpu.dma_semaphore, #tpu.memory_space<semaphore_mem>>)
      %dma_wait3A_75 = tpu.memref_slice %arg3[%add3A_39] : memref<8192xi32, #tpu.memory_space<hbm>> -> memref<64xi32, #tpu.memory_space<hbm>>
      %dma_wait3A_76 = tpu.memref_slice %arg3[%add3A_39] : memref<8192xi32, #tpu.memory_space<hbm>> -> memref<64xi32, #tpu.memory_space<hbm>>
      tpu.wait_dma2 semaphore(%run_scoped3A : memref<!tpu.dma_semaphore, #tpu.memory_space<semaphore_mem>>) src(%dma_wait3A_76 : memref<64xi32, #tpu.memory_space<hbm>>) dst(%arg6 : memref<64xi32, #tpu.memory_space<vmem>>)
      tpu.yield
    }) : () -> ()
    %dma_start3A_44 = arith.constant 0 : i32
    %dma_start3A_45 = arith.constant 0 : i32
    %dma_start3A_46 = tpu.memref_slice %arg2[%dma_start3A_44, %dma_start3A_45] : memref<9984x768xf32, #tpu.memory_space<hbm>> -> memref<9984x768xf32, #tpu.memory_space<hbm>>
    tpu.enqueue_indirect_dma source(%dma_start3A_46 : memref<9984x768xf32, #tpu.memory_space<hbm>>) target(%arg8 : memref<64x768xf32, #tpu.memory_space<vmem>>) offsets(%arg6 : memref<64xi32, #tpu.memory_space<vmem>>) semaphore(%arg10 : memref<!tpu.dma_semaphore, #tpu.memory_space<semaphore_mem>>)
    %dma_wait3A_47 = arith.constant 0 : i32
    %dma_wait3A_48 = arith.constant 0 : i32
    %dma_wait3A_49 = tpu.memref_slice %arg2[%dma_wait3A_47, %dma_wait3A_48] : memref<9984x768xf32, #tpu.memory_space<hbm>> -> memref<9984x768xf32, #tpu.memory_space<hbm>>
    tpu.wait_indirect_dma semaphore(%arg9 : memref<!tpu.dma_semaphore, #tpu.memory_space<semaphore_mem>>) src(%dma_wait3A_49 : memref<9984x768xf32, #tpu.memory_space<hbm>>) dst(%arg7 : memref<64x768xf32, #tpu.memory_space<vmem>>)
    %add3A_50 = arith.constant 128 : i32
    %add3A_51 = arith.addi %mul3A_2, %add3A_50 : i32
    %dma_start3A_52 = arith.constant 0 : i32
    %dma_start3A_53 = tpu.memref_slice %arg4[%add3A_51, %dma_start3A_52] : memref<8192x768xf32, #tpu.memory_space<hbm>> -> memref<64x768xf32, #tpu.memory_space<hbm>>
    %dma_start3A_54 = arith.constant 0 : i32
    %dma_start3A_55 = tpu.memref_slice %arg4[%add3A_51, %dma_start3A_54] : memref<8192x768xf32, #tpu.memory_space<hbm>> -> memref<64x768xf32, #tpu.memory_space<hbm>>
    tpu.enqueue_dma source(%arg7 : memref<64x768xf32, #tpu.memory_space<vmem>>) target(%dma_start3A_55 : memref<64x768xf32, #tpu.memory_space<hbm>>) target_semaphore(%arg11 : memref<!tpu.dma_semaphore, #tpu.memory_space<semaphore_mem>>)
    %dma_wait3A_56 = arith.constant 0 : i32
    %dma_wait3A_57 = arith.constant 0 : i32
    %dma_wait3A_58 = tpu.memref_slice %arg2[%dma_wait3A_56, %dma_wait3A_57] : memref<9984x768xf32, #tpu.memory_space<hbm>> -> memref<9984x768xf32, #tpu.memory_space<hbm>>
    tpu.wait_indirect_dma semaphore(%arg10 : memref<!tpu.dma_semaphore, #tpu.memory_space<semaphore_mem>>) src(%dma_wait3A_58 : memref<9984x768xf32, #tpu.memory_space<hbm>>) dst(%arg8 : memref<64x768xf32, #tpu.memory_space<vmem>>)
    %add3A_59 = arith.constant 192 : i32
    %add3A_60 = arith.addi %mul3A_2, %add3A_59 : i32
    %dma_start3A_61 = arith.constant 0 : i32
    %dma_start3A_62 = tpu.memref_slice %arg4[%add3A_60, %dma_start3A_61] : memref<8192x768xf32, #tpu.memory_space<hbm>> -> memref<64x768xf32, #tpu.memory_space<hbm>>
    %dma_start3A_63 = arith.constant 0 : i32
    %dma_start3A_64 = tpu.memref_slice %arg4[%add3A_60, %dma_start3A_63] : memref<8192x768xf32, #tpu.memory_space<hbm>> -> memref<64x768xf32, #tpu.memory_space<hbm>>
    tpu.enqueue_dma source(%arg8 : memref<64x768xf32, #tpu.memory_space<vmem>>) target(%dma_start3A_64 : memref<64x768xf32, #tpu.memory_space<hbm>>) target_semaphore(%arg12 : memref<!tpu.dma_semaphore, #tpu.memory_space<semaphore_mem>>)
    %dma_wait3A_65 = arith.constant 0 : i32
    %dma_wait3A_66 = tpu.memref_slice %arg4[%add3A_51, %dma_wait3A_65] : memref<8192x768xf32, #tpu.memory_space<hbm>> -> memref<64x768xf32, #tpu.memory_space<hbm>>
    %dma_wait3A_67 = arith.constant 0 : i32
    %dma_wait3A_68 = tpu.memref_slice %arg4[%add3A_51, %dma_wait3A_67] : memref<8192x768xf32, #tpu.memory_space<hbm>> -> memref<64x768xf32, #tpu.memory_space<hbm>>
    tpu.wait_dma2 semaphore(%arg11 : memref<!tpu.dma_semaphore, #tpu.memory_space<semaphore_mem>>) src(%arg7 : memref<64x768xf32, #tpu.memory_space<vmem>>) dst(%dma_wait3A_68 : memref<64x768xf32, #tpu.memory_space<hbm>>)
    %dma_wait3A_69 = arith.constant 0 : i32
    %dma_wait3A_70 = tpu.memref_slice %arg4[%add3A_60, %dma_wait3A_69] : memref<8192x768xf32, #tpu.memory_space<hbm>> -> memref<64x768xf32, #tpu.memory_space<hbm>>
    %dma_wait3A_71 = arith.constant 0 : i32
    %dma_wait3A_72 = tpu.memref_slice %arg4[%add3A_60, %dma_wait3A_71] : memref<8192x768xf32, #tpu.memory_space<hbm>> -> memref<64x768xf32, #tpu.memory_space<hbm>>
    tpu.wait_dma2 semaphore(%arg12 : memref<!tpu.dma_semaphore, #tpu.memory_space<semaphore_mem>>) src(%arg8 : memref<64x768xf32, #tpu.memory_space<vmem>>) dst(%dma_wait3A_72 : memref<64x768xf32, #tpu.memory_space<hbm>>)
    return
  }
}

#map = affine_map<(d0, d1) -> (0, 0)>
#map1 = affine_map<(d0, d1) -> (0)>
module attributes {stable_mosaic.version = 14 : i64} {
  func.func @scatter_k(%arg0: i32, %arg1: i32, %arg2: memref<8192x768xf32, #tpu.memory_space<hbm>>, %arg3: memref<8192xi32, #tpu.memory_space<hbm>>, %arg4: memref<9984x768xf32, #tpu.memory_space<hbm>>, %arg5: memref<64xi32, #tpu.memory_space<vmem>>, %arg6: memref<64xi32, #tpu.memory_space<vmem>>, %arg7: memref<64x768xf32, #tpu.memory_space<vmem>>, %arg8: memref<64x768xf32, #tpu.memory_space<vmem>>, %arg9: memref<!tpu.dma_semaphore, #tpu.memory_space<semaphore_mem>>, %arg10: memref<!tpu.dma_semaphore, #tpu.memory_space<semaphore_mem>>) attributes {dimension_semantics = [#tpu.dimension_semantics<core_parallel>, #tpu.dimension_semantics<subcore_parallel>], iteration_bounds = array<i64: 2, 16>, scalar_prefetch = 0 : i64, scratch_operands = 6 : i64, tpu.core_type = #tpu.core_type<sc_vector_subcore>, window_params = [{transform_indices = #map}, {transform_indices = #map1}, {transform_indices = #map}]} {
    %mul3A = arith.constant 2 : i32
    %mul3A_0 = arith.muli %arg1, %mul3A : i32
    %add3A = arith.addi %mul3A_0, %arg0 : i32
    %mul3A_1 = arith.constant 256 : i32
    %mul3A_2 = arith.muli %add3A, %mul3A_1 : i32
    %add3A_3 = arith.constant 0 : i32
    %add3A_4 = arith.addi %mul3A_2, %add3A_3 : i32
    "tpu.region"() ({
      %run_scoped3A = tpu.sem_alloc : memref<!tpu.dma_semaphore, #tpu.memory_space<semaphore_mem>>
      %dma_start3A_33 = tpu.memref_slice %arg3[%add3A_4] : memref<8192xi32, #tpu.memory_space<hbm>> -> memref<64xi32, #tpu.memory_space<hbm>>
      %dma_start3A_34 = tpu.memref_slice %arg3[%add3A_4] : memref<8192xi32, #tpu.memory_space<hbm>> -> memref<64xi32, #tpu.memory_space<hbm>>
      tpu.enqueue_dma source(%dma_start3A_34 : memref<64xi32, #tpu.memory_space<hbm>>) target(%arg5 : memref<64xi32, #tpu.memory_space<vmem>>) target_semaphore(%run_scoped3A : memref<!tpu.dma_semaphore, #tpu.memory_space<semaphore_mem>>)
      %dma_wait3A_35 = tpu.memref_slice %arg3[%add3A_4] : memref<8192xi32, #tpu.memory_space<hbm>> -> memref<64xi32, #tpu.memory_space<hbm>>
      %dma_wait3A_36 = tpu.memref_slice %arg3[%add3A_4] : memref<8192xi32, #tpu.memory_space<hbm>> -> memref<64xi32, #tpu.memory_space<hbm>>
      tpu.wait_dma2 semaphore(%run_scoped3A : memref<!tpu.dma_semaphore, #tpu.memory_space<semaphore_mem>>) src(%dma_wait3A_36 : memref<64xi32, #tpu.memory_space<hbm>>) dst(%arg5 : memref<64xi32, #tpu.memory_space<vmem>>)
      tpu.yield
    }) : () -> ()
    "tpu.region"() ({
      %run_scoped3A = tpu.sem_alloc : memref<!tpu.dma_semaphore, #tpu.memory_space<semaphore_mem>>
      %dma_start3A_33 = arith.constant 0 : i32
      %dma_start3A_34 = tpu.memref_slice %arg2[%add3A_4, %dma_start3A_33] : memref<8192x768xf32, #tpu.memory_space<hbm>> -> memref<64x768xf32, #tpu.memory_space<hbm>>
      %dma_start3A_35 = arith.constant 0 : i32
      %dma_start3A_36 = tpu.memref_slice %arg2[%add3A_4, %dma_start3A_35] : memref<8192x768xf32, #tpu.memory_space<hbm>> -> memref<64x768xf32, #tpu.memory_space<hbm>>
      tpu.enqueue_dma source(%dma_start3A_36 : memref<64x768xf32, #tpu.memory_space<hbm>>) target(%arg7 : memref<64x768xf32, #tpu.memory_space<vmem>>) target_semaphore(%run_scoped3A : memref<!tpu.dma_semaphore, #tpu.memory_space<semaphore_mem>>)
      %dma_wait3A_37 = arith.constant 0 : i32
      %dma_wait3A_38 = tpu.memref_slice %arg2[%add3A_4, %dma_wait3A_37] : memref<8192x768xf32, #tpu.memory_space<hbm>> -> memref<64x768xf32, #tpu.memory_space<hbm>>
      %dma_wait3A_39 = arith.constant 0 : i32
      %dma_wait3A_40 = tpu.memref_slice %arg2[%add3A_4, %dma_wait3A_39] : memref<8192x768xf32, #tpu.memory_space<hbm>> -> memref<64x768xf32, #tpu.memory_space<hbm>>
      tpu.wait_dma2 semaphore(%run_scoped3A : memref<!tpu.dma_semaphore, #tpu.memory_space<semaphore_mem>>) src(%dma_wait3A_40 : memref<64x768xf32, #tpu.memory_space<hbm>>) dst(%arg7 : memref<64x768xf32, #tpu.memory_space<vmem>>)
      tpu.yield
    }) : () -> ()
    %dma_start3A = arith.constant 0 : i32
    %dma_start3A_5 = arith.constant 0 : i32
    %dma_start3A_6 = tpu.memref_slice %arg4[%dma_start3A, %dma_start3A_5] : memref<9984x768xf32, #tpu.memory_space<hbm>> -> memref<9984x768xf32, #tpu.memory_space<hbm>>
    tpu.enqueue_indirect_dma source(%arg7 : memref<64x768xf32, #tpu.memory_space<vmem>>) target(%dma_start3A_6 : memref<9984x768xf32, #tpu.memory_space<hbm>>) offsets(%arg5 : memref<64xi32, #tpu.memory_space<vmem>>) semaphore(%arg9 : memref<!tpu.dma_semaphore, #tpu.memory_space<semaphore_mem>>)
    %add3A_7 = arith.constant 64 : i32
    %add3A_8 = arith.addi %mul3A_2, %add3A_7 : i32
    "tpu.region"() ({
      %run_scoped3A = tpu.sem_alloc : memref<!tpu.dma_semaphore, #tpu.memory_space<semaphore_mem>>
      %dma_start3A_33 = tpu.memref_slice %arg3[%add3A_8] : memref<8192xi32, #tpu.memory_space<hbm>> -> memref<64xi32, #tpu.memory_space<hbm>>
      %dma_start3A_34 = tpu.memref_slice %arg3[%add3A_8] : memref<8192xi32, #tpu.memory_space<hbm>> -> memref<64xi32, #tpu.memory_space<hbm>>
      tpu.enqueue_dma source(%dma_start3A_34 : memref<64xi32, #tpu.memory_space<hbm>>) target(%arg6 : memref<64xi32, #tpu.memory_space<vmem>>) target_semaphore(%run_scoped3A : memref<!tpu.dma_semaphore, #tpu.memory_space<semaphore_mem>>)
      %dma_wait3A_35 = tpu.memref_slice %arg3[%add3A_8] : memref<8192xi32, #tpu.memory_space<hbm>> -> memref<64xi32, #tpu.memory_space<hbm>>
      %dma_wait3A_36 = tpu.memref_slice %arg3[%add3A_8] : memref<8192xi32, #tpu.memory_space<hbm>> -> memref<64xi32, #tpu.memory_space<hbm>>
      tpu.wait_dma2 semaphore(%run_scoped3A : memref<!tpu.dma_semaphore, #tpu.memory_space<semaphore_mem>>) src(%dma_wait3A_36 : memref<64xi32, #tpu.memory_space<hbm>>) dst(%arg6 : memref<64xi32, #tpu.memory_space<vmem>>)
      tpu.yield
    }) : () -> ()
    "tpu.region"() ({
      %run_scoped3A = tpu.sem_alloc : memref<!tpu.dma_semaphore, #tpu.memory_space<semaphore_mem>>
      %dma_start3A_33 = arith.constant 0 : i32
      %dma_start3A_34 = tpu.memref_slice %arg2[%add3A_8, %dma_start3A_33] : memref<8192x768xf32, #tpu.memory_space<hbm>> -> memref<64x768xf32, #tpu.memory_space<hbm>>
      %dma_start3A_35 = arith.constant 0 : i32
      %dma_start3A_36 = tpu.memref_slice %arg2[%add3A_8, %dma_start3A_35] : memref<8192x768xf32, #tpu.memory_space<hbm>> -> memref<64x768xf32, #tpu.memory_space<hbm>>
      tpu.enqueue_dma source(%dma_start3A_36 : memref<64x768xf32, #tpu.memory_space<hbm>>) target(%arg8 : memref<64x768xf32, #tpu.memory_space<vmem>>) target_semaphore(%run_scoped3A : memref<!tpu.dma_semaphore, #tpu.memory_space<semaphore_mem>>)
      %dma_wait3A_37 = arith.constant 0 : i32
      %dma_wait3A_38 = tpu.memref_slice %arg2[%add3A_8, %dma_wait3A_37] : memref<8192x768xf32, #tpu.memory_space<hbm>> -> memref<64x768xf32, #tpu.memory_space<hbm>>
      %dma_wait3A_39 = arith.constant 0 : i32
      %dma_wait3A_40 = tpu.memref_slice %arg2[%add3A_8, %dma_wait3A_39] : memref<8192x768xf32, #tpu.memory_space<hbm>> -> memref<64x768xf32, #tpu.memory_space<hbm>>
      tpu.wait_dma2 semaphore(%run_scoped3A : memref<!tpu.dma_semaphore, #tpu.memory_space<semaphore_mem>>) src(%dma_wait3A_40 : memref<64x768xf32, #tpu.memory_space<hbm>>) dst(%arg8 : memref<64x768xf32, #tpu.memory_space<vmem>>)
      tpu.yield
    }) : () -> ()
    %dma_start3A_9 = arith.constant 0 : i32
    %dma_start3A_10 = arith.constant 0 : i32
    %dma_start3A_11 = tpu.memref_slice %arg4[%dma_start3A_9, %dma_start3A_10] : memref<9984x768xf32, #tpu.memory_space<hbm>> -> memref<9984x768xf32, #tpu.memory_space<hbm>>
    tpu.enqueue_indirect_dma source(%arg8 : memref<64x768xf32, #tpu.memory_space<vmem>>) target(%dma_start3A_11 : memref<9984x768xf32, #tpu.memory_space<hbm>>) offsets(%arg6 : memref<64xi32, #tpu.memory_space<vmem>>) semaphore(%arg10 : memref<!tpu.dma_semaphore, #tpu.memory_space<semaphore_mem>>)
    %add3A_12 = arith.constant 128 : i32
    %add3A_13 = arith.addi %mul3A_2, %add3A_12 : i32
    %dma_wait3A = arith.constant 0 : i32
    %dma_wait3A_14 = arith.constant 0 : i32
    %dma_wait3A_15 = tpu.memref_slice %arg4[%dma_wait3A, %dma_wait3A_14] : memref<9984x768xf32, #tpu.memory_space<hbm>> -> memref<9984x768xf32, #tpu.memory_space<hbm>>
    tpu.wait_indirect_dma semaphore(%arg9 : memref<!tpu.dma_semaphore, #tpu.memory_space<semaphore_mem>>) src(%arg7 : memref<64x768xf32, #tpu.memory_space<vmem>>) dst(%dma_wait3A_15 : memref<9984x768xf32, #tpu.memory_space<hbm>>)
    "tpu.region"() ({
      %run_scoped3A = tpu.sem_alloc : memref<!tpu.dma_semaphore, #tpu.memory_space<semaphore_mem>>
      %dma_start3A_33 = tpu.memref_slice %arg3[%add3A_13] : memref<8192xi32, #tpu.memory_space<hbm>> -> memref<64xi32, #tpu.memory_space<hbm>>
      %dma_start3A_34 = tpu.memref_slice %arg3[%add3A_13] : memref<8192xi32, #tpu.memory_space<hbm>> -> memref<64xi32, #tpu.memory_space<hbm>>
      tpu.enqueue_dma source(%dma_start3A_34 : memref<64xi32, #tpu.memory_space<hbm>>) target(%arg5 : memref<64xi32, #tpu.memory_space<vmem>>) target_semaphore(%run_scoped3A : memref<!tpu.dma_semaphore, #tpu.memory_space<semaphore_mem>>)
      %dma_wait3A_35 = tpu.memref_slice %arg3[%add3A_13] : memref<8192xi32, #tpu.memory_space<hbm>> -> memref<64xi32, #tpu.memory_space<hbm>>
      %dma_wait3A_36 = tpu.memref_slice %arg3[%add3A_13] : memref<8192xi32, #tpu.memory_space<hbm>> -> memref<64xi32, #tpu.memory_space<hbm>>
      tpu.wait_dma2 semaphore(%run_scoped3A : memref<!tpu.dma_semaphore, #tpu.memory_space<semaphore_mem>>) src(%dma_wait3A_36 : memref<64xi32, #tpu.memory_space<hbm>>) dst(%arg5 : memref<64xi32, #tpu.memory_space<vmem>>)
      tpu.yield
    }) : () -> ()
    "tpu.region"() ({
      %run_scoped3A = tpu.sem_alloc : memref<!tpu.dma_semaphore, #tpu.memory_space<semaphore_mem>>
      %dma_start3A_33 = arith.constant 0 : i32
      %dma_start3A_34 = tpu.memref_slice %arg2[%add3A_13, %dma_start3A_33] : memref<8192x768xf32, #tpu.memory_space<hbm>> -> memref<64x768xf32, #tpu.memory_space<hbm>>
      %dma_start3A_35 = arith.constant 0 : i32
      %dma_start3A_36 = tpu.memref_slice %arg2[%add3A_13, %dma_start3A_35] : memref<8192x768xf32, #tpu.memory_space<hbm>> -> memref<64x768xf32, #tpu.memory_space<hbm>>
      tpu.enqueue_dma source(%dma_start3A_36 : memref<64x768xf32, #tpu.memory_space<hbm>>) target(%arg7 : memref<64x768xf32, #tpu.memory_space<vmem>>) target_semaphore(%run_scoped3A : memref<!tpu.dma_semaphore, #tpu.memory_space<semaphore_mem>>)
      %dma_wait3A_37 = arith.constant 0 : i32
      %dma_wait3A_38 = tpu.memref_slice %arg2[%add3A_13, %dma_wait3A_37] : memref<8192x768xf32, #tpu.memory_space<hbm>> -> memref<64x768xf32, #tpu.memory_space<hbm>>
      %dma_wait3A_39 = arith.constant 0 : i32
      %dma_wait3A_40 = tpu.memref_slice %arg2[%add3A_13, %dma_wait3A_39] : memref<8192x768xf32, #tpu.memory_space<hbm>> -> memref<64x768xf32, #tpu.memory_space<hbm>>
      tpu.wait_dma2 semaphore(%run_scoped3A : memref<!tpu.dma_semaphore, #tpu.memory_space<semaphore_mem>>) src(%dma_wait3A_40 : memref<64x768xf32, #tpu.memory_space<hbm>>) dst(%arg7 : memref<64x768xf32, #tpu.memory_space<vmem>>)
      tpu.yield
    }) : () -> ()
    %dma_start3A_16 = arith.constant 0 : i32
    %dma_start3A_17 = arith.constant 0 : i32
    %dma_start3A_18 = tpu.memref_slice %arg4[%dma_start3A_16, %dma_start3A_17] : memref<9984x768xf32, #tpu.memory_space<hbm>> -> memref<9984x768xf32, #tpu.memory_space<hbm>>
    tpu.enqueue_indirect_dma source(%arg7 : memref<64x768xf32, #tpu.memory_space<vmem>>) target(%dma_start3A_18 : memref<9984x768xf32, #tpu.memory_space<hbm>>) offsets(%arg5 : memref<64xi32, #tpu.memory_space<vmem>>) semaphore(%arg9 : memref<!tpu.dma_semaphore, #tpu.memory_space<semaphore_mem>>)
    %add3A_19 = arith.constant 192 : i32
    %add3A_20 = arith.addi %mul3A_2, %add3A_19 : i32
    %dma_wait3A_21 = arith.constant 0 : i32
    %dma_wait3A_22 = arith.constant 0 : i32
    %dma_wait3A_23 = tpu.memref_slice %arg4[%dma_wait3A_21, %dma_wait3A_22] : memref<9984x768xf32, #tpu.memory_space<hbm>> -> memref<9984x768xf32, #tpu.memory_space<hbm>>
    tpu.wait_indirect_dma semaphore(%arg10 : memref<!tpu.dma_semaphore, #tpu.memory_space<semaphore_mem>>) src(%arg8 : memref<64x768xf32, #tpu.memory_space<vmem>>) dst(%dma_wait3A_23 : memref<9984x768xf32, #tpu.memory_space<hbm>>)
    "tpu.region"() ({
      %run_scoped3A = tpu.sem_alloc : memref<!tpu.dma_semaphore, #tpu.memory_space<semaphore_mem>>
      %dma_start3A_33 = tpu.memref_slice %arg3[%add3A_20] : memref<8192xi32, #tpu.memory_space<hbm>> -> memref<64xi32, #tpu.memory_space<hbm>>
      %dma_start3A_34 = tpu.memref_slice %arg3[%add3A_20] : memref<8192xi32, #tpu.memory_space<hbm>> -> memref<64xi32, #tpu.memory_space<hbm>>
      tpu.enqueue_dma source(%dma_start3A_34 : memref<64xi32, #tpu.memory_space<hbm>>) target(%arg6 : memref<64xi32, #tpu.memory_space<vmem>>) target_semaphore(%run_scoped3A : memref<!tpu.dma_semaphore, #tpu.memory_space<semaphore_mem>>)
      %dma_wait3A_35 = tpu.memref_slice %arg3[%add3A_20] : memref<8192xi32, #tpu.memory_space<hbm>> -> memref<64xi32, #tpu.memory_space<hbm>>
      %dma_wait3A_36 = tpu.memref_slice %arg3[%add3A_20] : memref<8192xi32, #tpu.memory_space<hbm>> -> memref<64xi32, #tpu.memory_space<hbm>>
      tpu.wait_dma2 semaphore(%run_scoped3A : memref<!tpu.dma_semaphore, #tpu.memory_space<semaphore_mem>>) src(%dma_wait3A_36 : memref<64xi32, #tpu.memory_space<hbm>>) dst(%arg6 : memref<64xi32, #tpu.memory_space<vmem>>)
      tpu.yield
    }) : () -> ()
    "tpu.region"() ({
      %run_scoped3A = tpu.sem_alloc : memref<!tpu.dma_semaphore, #tpu.memory_space<semaphore_mem>>
      %dma_start3A_33 = arith.constant 0 : i32
      %dma_start3A_34 = tpu.memref_slice %arg2[%add3A_20, %dma_start3A_33] : memref<8192x768xf32, #tpu.memory_space<hbm>> -> memref<64x768xf32, #tpu.memory_space<hbm>>
      %dma_start3A_35 = arith.constant 0 : i32
      %dma_start3A_36 = tpu.memref_slice %arg2[%add3A_20, %dma_start3A_35] : memref<8192x768xf32, #tpu.memory_space<hbm>> -> memref<64x768xf32, #tpu.memory_space<hbm>>
      tpu.enqueue_dma source(%dma_start3A_36 : memref<64x768xf32, #tpu.memory_space<hbm>>) target(%arg8 : memref<64x768xf32, #tpu.memory_space<vmem>>) target_semaphore(%run_scoped3A : memref<!tpu.dma_semaphore, #tpu.memory_space<semaphore_mem>>)
      %dma_wait3A_37 = arith.constant 0 : i32
      %dma_wait3A_38 = tpu.memref_slice %arg2[%add3A_20, %dma_wait3A_37] : memref<8192x768xf32, #tpu.memory_space<hbm>> -> memref<64x768xf32, #tpu.memory_space<hbm>>
      %dma_wait3A_39 = arith.constant 0 : i32
      %dma_wait3A_40 = tpu.memref_slice %arg2[%add3A_20, %dma_wait3A_39] : memref<8192x768xf32, #tpu.memory_space<hbm>> -> memref<64x768xf32, #tpu.memory_space<hbm>>
      tpu.wait_dma2 semaphore(%run_scoped3A : memref<!tpu.dma_semaphore, #tpu.memory_space<semaphore_mem>>) src(%dma_wait3A_40 : memref<64x768xf32, #tpu.memory_space<hbm>>) dst(%arg8 : memref<64x768xf32, #tpu.memory_space<vmem>>)
      tpu.yield
    }) : () -> ()
    %dma_start3A_24 = arith.constant 0 : i32
    %dma_start3A_25 = arith.constant 0 : i32
    %dma_start3A_26 = tpu.memref_slice %arg4[%dma_start3A_24, %dma_start3A_25] : memref<9984x768xf32, #tpu.memory_space<hbm>> -> memref<9984x768xf32, #tpu.memory_space<hbm>>
    tpu.enqueue_indirect_dma source(%arg8 : memref<64x768xf32, #tpu.memory_space<vmem>>) target(%dma_start3A_26 : memref<9984x768xf32, #tpu.memory_space<hbm>>) offsets(%arg6 : memref<64xi32, #tpu.memory_space<vmem>>) semaphore(%arg10 : memref<!tpu.dma_semaphore, #tpu.memory_space<semaphore_mem>>)
    %dma_wait3A_27 = arith.constant 0 : i32
    %dma_wait3A_28 = arith.constant 0 : i32
    %dma_wait3A_29 = tpu.memref_slice %arg4[%dma_wait3A_27, %dma_wait3A_28] : memref<9984x768xf32, #tpu.memory_space<hbm>> -> memref<9984x768xf32, #tpu.memory_space<hbm>>
    tpu.wait_indirect_dma semaphore(%arg9 : memref<!tpu.dma_semaphore, #tpu.memory_space<semaphore_mem>>) src(%arg7 : memref<64x768xf32, #tpu.memory_space<vmem>>) dst(%dma_wait3A_29 : memref<9984x768xf32, #tpu.memory_space<hbm>>)
    %dma_wait3A_30 = arith.constant 0 : i32
    %dma_wait3A_31 = arith.constant 0 : i32
    %dma_wait3A_32 = tpu.memref_slice %arg4[%dma_wait3A_30, %dma_wait3A_31] : memref<9984x768xf32, #tpu.memory_space<hbm>> -> memref<9984x768xf32, #tpu.memory_space<hbm>>
    tpu.wait_indirect_dma semaphore(%arg10 : memref<!tpu.dma_semaphore, #tpu.memory_space<semaphore_mem>>) src(%arg8 : memref<64x768xf32, #tpu.memory_space<vmem>>) dst(%dma_wait3A_32 : memref<9984x768xf32, #tpu.memory_space<hbm>>)
    return
  }
}

module attributes {stable_mosaic.version = 14 : i64} {
  func.func @_gate_book_body(%arg0: i32, %arg1: i32, %arg2: memref<2048x768xf32, #tpu.memory_space<vmem>>, %arg3: memref<8x768xf32, #tpu.memory_space<vmem>>, %arg4: memref<1x8xf32, #tpu.memory_space<vmem>>, %arg5: memref<1x1x2048xi32, #tpu.memory_space<vmem>>, %arg6: memref<1x39xi32, #tpu.memory_space<vmem>>, %arg7: memref<4x2048xi32, #tpu.memory_space<vmem>>, %arg8: memref<4x2048xi32, #tpu.memory_space<vmem>>, %arg9: memref<8x1xi32, #tpu.memory_space<vmem>>, %arg10: memref<8x1xi32, #tpu.memory_space<vmem>>) attributes {dimension_semantics = [#tpu.dimension_semantics<arbitrary>, #tpu.dimension_semantics<arbitrary>], iteration_bounds = array<i64: 2, 4>, scalar_prefetch = 0 : i64, scratch_operands = 4 : i64, tpu.core_type = #tpu.core_type<tc>, window_params = [{transform_indices = @transform_0, window_bounds = array<i64: 2048, 768>}, {pipeline_mode = #tpu.pipeline_mode<synchronous>, transform_indices = @transform_1, window_bounds = array<i64: 8, 768>}, {pipeline_mode = #tpu.pipeline_mode<synchronous>, transform_indices = @transform_2, window_bounds = array<i64: 1, 8>}, {transform_indices = @transform_3, window_bounds = array<i64: 1, 1, 2048>}, {pipeline_mode = #tpu.pipeline_mode<synchronous>, transform_indices = @transform_4, window_bounds = array<i64: 1, 39>}]} {
    %eq3A = arith.constant 0 : i32
    %eq3A_0 = arith.cmpi eq, %arg0, %eq3A : i32
    %eq3A_1 = arith.constant 0 : i32
    %eq3A_2 = arith.cmpi eq, %arg1, %eq3A_1 : i32
    %and3A = arith.andi %eq3A_0, %eq3A_2 : i1
    %convert_element_type3A = arith.extui %and3A : i1 to i32
    %cond3A = arith.constant 0 : i32
    %cond3A_3 = arith.cmpi ne, %convert_element_type3A, %cond3A : i32
    scf.if %cond3A_3 {
      %broadcast_in_dim3A = arith.constant 0 : i32
      %broadcast_in_dim3A_14 = vector.broadcast %broadcast_in_dim3A : i32 to vector<8x1xi32>
      %swap3A = arith.constant 0 : index
      %swap3A_15 = arith.constant 0 : index
      %swap3A_16 = vector.load %arg9[%swap3A, %swap3A_15] : memref<8x1xi32, #tpu.memory_space<vmem>>, vector<8x1xi32>
      tpu.vector_store %arg9[%swap3A, %swap3A_15], %broadcast_in_dim3A_14 {strides = array<i32>} : memref<8x1xi32, #tpu.memory_space<vmem>>, vector<8x1xi32>,
    } else {
    }
    %iota3A = tpu.iota {dimensions = array<i32: 0>} : vector<8x2048xi32>
    %eq3A_4 = arith.constant 0 : i32
    %eq3A_5 = arith.cmpi eq, %arg0, %eq3A_4 : i32
    %convert_element_type3A_6 = arith.extui %eq3A_5 : i1 to i32
    %cond3A_7 = arith.constant 0 : i32
    %cond3A_8 = arith.cmpi ne, %convert_element_type3A_6, %cond3A_7 : i32
    scf.if %cond3A_8 {
      %get3A = arith.constant 0 : index
      %get3A_14 = arith.constant 0 : index
      %get3A_15 = vector.load %arg3[%get3A, %get3A_14] : memref<8x768xf32, #tpu.memory_space<vmem>>, vector<8x768xf32>
      %get3A_16 = arith.constant 0 : index
      %get3A_17 = arith.constant 0 : index
      %get3A_18 = vector.load %arg2[%get3A_16, %get3A_17] : memref<2048x768xf32, #tpu.memory_space<vmem>>, vector<2048x768xf32>
      %dot_general3A = arith.constant dense<0.000000e+00> : vector<8x2048xf32>
      %dot_general3A_19 = tpu.matmul %get3A_15, %get3A_18, %dot_general3A {dimension_numbers = #tpu.dot_dimension_numbers<[1], [1], [0], [0], [0, 0, 1, 0], [], []>, transpose_lhs_hint = false} : vector<8x768xf32>, vector<2048x768xf32>, vector<8x2048xf32> -> vector<8x2048xf32>
      %get3A_20 = arith.constant 0 : index
      %get3A_21 = arith.constant 0 : index
      %get3A_22 = vector.load %arg4[%get3A_20, %get3A_21] : memref<1x8xf32, #tpu.memory_space<vmem>>, vector<1x8xf32>
      %reshape3A = vector.shape_cast %get3A_22 : vector<1x8xf32> to vector<8x1xf32>
      %add3A = vector.broadcast %reshape3A : vector<8x1xf32> to vector<8x2048xf32>
      %add3A_23 = arith.addf %dot_general3A_19, %add3A : vector<8x2048xf32>
      %reduce_max3A = arith.constant dense<0xFF800000> : vector<2048xf32>
      %reduce_max3A_24 = vector.multi_reduction <maximumf>, %add3A_23, %reduce_max3A [0] : vector<8x2048xf32> to vector<2048xf32>
      %broadcast_in_dim3A = vector.shape_cast %reduce_max3A_24 : vector<2048xf32> to vector<1x2048xf32>
      %ge3A = vector.broadcast %broadcast_in_dim3A : vector<1x2048xf32> to vector<8x2048xf32>
      %ge3A_25 = arith.cmpf oge, %add3A_23, %ge3A : vector<8x2048xf32>
      %jit3A = arith.constant 8 : i32
      %broadcast_in_dim3A_26 = vector.broadcast %jit3A : i32 to vector<8x2048xi32>
      %select_n3A = arith.select %ge3A_25, %iota3A, %broadcast_in_dim3A_26 : vector<8x2048xi1>, vector<8x2048xi32>
      %reduce_min3A = arith.constant dense<2147483647> : vector<2048xi32>
      %reduce_min3A_27 = vector.multi_reduction <minsi>, %select_n3A, %reduce_min3A [0] : vector<8x2048xi32> to vector<2048xi32>
      %broadcast_in_dim3A_28 = vector.shape_cast %reduce_min3A_27 : vector<2048xi32> to vector<1x2048xi32>
      %eq3A_29 = vector.broadcast %broadcast_in_dim3A_28 : vector<1x2048xi32> to vector<8x2048xi32>
      %eq3A_30 = arith.cmpi eq, %iota3A, %eq3A_29 : vector<8x2048xi32>
      %convert_element_type3A_31 = arith.extui %eq3A_30 : vector<8x2048xi1> to vector<8x2048xi32>
      %iota3A_32 = tpu.iota {dimensions = array<i32: 1>} : vector<8x2048xi32>
      %roll3A = arith.constant 1 : i32
      %roll3A_33 = tpu.dynamic_rotate %convert_element_type3A_31 by %roll3A dim 1 : vector<8x2048xi32>, i32 -> vector<8x2048xi32>
      %ge3A_34 = arith.constant 1 : i32
      %ge3A_35 = vector.broadcast %ge3A_34 : i32 to vector<8x2048xi32>
      %ge3A_36 = arith.cmpi sge, %iota3A_32, %ge3A_35 : vector<8x2048xi32>
      %jit3A_37 = arith.constant 0 : i32
      %broadcast_in_dim3A_38 = vector.broadcast %jit3A_37 : i32 to vector<8x2048xi32>
      %select_n3A_39 = arith.select %ge3A_36, %roll3A_33, %broadcast_in_dim3A_38 : vector<8x2048xi1>, vector<8x2048xi32>
      %add3A_40 = arith.addi %convert_element_type3A_31, %select_n3A_39 : vector<8x2048xi32>
      %roll3A_41 = arith.constant 2 : i32
      %roll3A_42 = tpu.dynamic_rotate %add3A_40 by %roll3A_41 dim 1 : vector<8x2048xi32>, i32 -> vector<8x2048xi32>
      %ge3A_43 = arith.constant 2 : i32
      %ge3A_44 = vector.broadcast %ge3A_43 : i32 to vector<8x2048xi32>
      %ge3A_45 = arith.cmpi sge, %iota3A_32, %ge3A_44 : vector<8x2048xi32>
      %jit3A_46 = arith.constant 0 : i32
      %broadcast_in_dim3A_47 = vector.broadcast %jit3A_46 : i32 to vector<8x2048xi32>
      %select_n3A_48 = arith.select %ge3A_45, %roll3A_42, %broadcast_in_dim3A_47 : vector<8x2048xi1>, vector<8x2048xi32>
      %add3A_49 = arith.addi %add3A_40, %select_n3A_48 : vector<8x2048xi32>
      %roll3A_50 = arith.constant 4 : i32
      %roll3A_51 = tpu.dynamic_rotate %add3A_49 by %roll3A_50 dim 1 : vector<8x2048xi32>, i32 -> vector<8x2048xi32>
      %ge3A_52 = arith.constant 4 : i32
      %ge3A_53 = vector.broadcast %ge3A_52 : i32 to vector<8x2048xi32>
      %ge3A_54 = arith.cmpi sge, %iota3A_32, %ge3A_53 : vector<8x2048xi32>
      %jit3A_55 = arith.constant 0 : i32
      %broadcast_in_dim3A_56 = vector.broadcast %jit3A_55 : i32 to vector<8x2048xi32>
      %select_n3A_57 = arith.select %ge3A_54, %roll3A_51, %broadcast_in_dim3A_56 : vector<8x2048xi1>, vector<8x2048xi32>
      %add3A_58 = arith.addi %add3A_49, %select_n3A_57 : vector<8x2048xi32>
      %roll3A_59 = arith.constant 8 : i32
      %roll3A_60 = tpu.dynamic_rotate %add3A_58 by %roll3A_59 dim 1 : vector<8x2048xi32>, i32 -> vector<8x2048xi32>
      %ge3A_61 = arith.constant 8 : i32
      %ge3A_62 = vector.broadcast %ge3A_61 : i32 to vector<8x2048xi32>
      %ge3A_63 = arith.cmpi sge, %iota3A_32, %ge3A_62 : vector<8x2048xi32>
      %jit3A_64 = arith.constant 0 : i32
      %broadcast_in_dim3A_65 = vector.broadcast %jit3A_64 : i32 to vector<8x2048xi32>
      %select_n3A_66 = arith.select %ge3A_63, %roll3A_60, %broadcast_in_dim3A_65 : vector<8x2048xi1>, vector<8x2048xi32>
      %add3A_67 = arith.addi %add3A_58, %select_n3A_66 : vector<8x2048xi32>
      %roll3A_68 = arith.constant 16 : i32
      %roll3A_69 = tpu.dynamic_rotate %add3A_67 by %roll3A_68 dim 1 : vector<8x2048xi32>, i32 -> vector<8x2048xi32>
      %ge3A_70 = arith.constant 16 : i32
      %ge3A_71 = vector.broadcast %ge3A_70 : i32 to vector<8x2048xi32>
      %ge3A_72 = arith.cmpi sge, %iota3A_32, %ge3A_71 : vector<8x2048xi32>
      %jit3A_73 = arith.constant 0 : i32
      %broadcast_in_dim3A_74 = vector.broadcast %jit3A_73 : i32 to vector<8x2048xi32>
      %select_n3A_75 = arith.select %ge3A_72, %roll3A_69, %broadcast_in_dim3A_74 : vector<8x2048xi1>, vector<8x2048xi32>
      %add3A_76 = arith.addi %add3A_67, %select_n3A_75 : vector<8x2048xi32>
      %roll3A_77 = arith.constant 32 : i32
      %roll3A_78 = tpu.dynamic_rotate %add3A_76 by %roll3A_77 dim 1 : vector<8x2048xi32>, i32 -> vector<8x2048xi32>
      %ge3A_79 = arith.constant 32 : i32
      %ge3A_80 = vector.broadcast %ge3A_79 : i32 to vector<8x2048xi32>
      %ge3A_81 = arith.cmpi sge, %iota3A_32, %ge3A_80 : vector<8x2048xi32>
      %jit3A_82 = arith.constant 0 : i32
      %broadcast_in_dim3A_83 = vector.broadcast %jit3A_82 : i32 to vector<8x2048xi32>
      %select_n3A_84 = arith.select %ge3A_81, %roll3A_78, %broadcast_in_dim3A_83 : vector<8x2048xi1>, vector<8x2048xi32>
      %add3A_85 = arith.addi %add3A_76, %select_n3A_84 : vector<8x2048xi32>
      %roll3A_86 = arith.constant 64 : i32
      %roll3A_87 = tpu.dynamic_rotate %add3A_85 by %roll3A_86 dim 1 : vector<8x2048xi32>, i32 -> vector<8x2048xi32>
      %ge3A_88 = arith.constant 64 : i32
      %ge3A_89 = vector.broadcast %ge3A_88 : i32 to vector<8x2048xi32>
      %ge3A_90 = arith.cmpi sge, %iota3A_32, %ge3A_89 : vector<8x2048xi32>
      %jit3A_91 = arith.constant 0 : i32
      %broadcast_in_dim3A_92 = vector.broadcast %jit3A_91 : i32 to vector<8x2048xi32>
      %select_n3A_93 = arith.select %ge3A_90, %roll3A_87, %broadcast_in_dim3A_92 : vector<8x2048xi1>, vector<8x2048xi32>
      %add3A_94 = arith.addi %add3A_85, %select_n3A_93 : vector<8x2048xi32>
      %roll3A_95 = arith.constant 128 : i32
      %roll3A_96 = tpu.dynamic_rotate %add3A_94 by %roll3A_95 dim 1 : vector<8x2048xi32>, i32 -> vector<8x2048xi32>
      %ge3A_97 = arith.constant 128 : i32
      %ge3A_98 = vector.broadcast %ge3A_97 : i32 to vector<8x2048xi32>
      %ge3A_99 = arith.cmpi sge, %iota3A_32, %ge3A_98 : vector<8x2048xi32>
      %jit3A_100 = arith.constant 0 : i32
      %broadcast_in_dim3A_101 = vector.broadcast %jit3A_100 : i32 to vector<8x2048xi32>
      %select_n3A_102 = arith.select %ge3A_99, %roll3A_96, %broadcast_in_dim3A_101 : vector<8x2048xi1>, vector<8x2048xi32>
      %add3A_103 = arith.addi %add3A_94, %select_n3A_102 : vector<8x2048xi32>
      %roll3A_104 = arith.constant 256 : i32
      %roll3A_105 = tpu.dynamic_rotate %add3A_103 by %roll3A_104 dim 1 : vector<8x2048xi32>, i32 -> vector<8x2048xi32>
      %ge3A_106 = arith.constant 256 : i32
      %ge3A_107 = vector.broadcast %ge3A_106 : i32 to vector<8x2048xi32>
      %ge3A_108 = arith.cmpi sge, %iota3A_32, %ge3A_107 : vector<8x2048xi32>
      %jit3A_109 = arith.constant 0 : i32
      %broadcast_in_dim3A_110 = vector.broadcast %jit3A_109 : i32 to vector<8x2048xi32>
      %select_n3A_111 = arith.select %ge3A_108, %roll3A_105, %broadcast_in_dim3A_110 : vector<8x2048xi1>, vector<8x2048xi32>
      %add3A_112 = arith.addi %add3A_103, %select_n3A_111 : vector<8x2048xi32>
      %roll3A_113 = arith.constant 512 : i32
      %roll3A_114 = tpu.dynamic_rotate %add3A_112 by %roll3A_113 dim 1 : vector<8x2048xi32>, i32 -> vector<8x2048xi32>
      %ge3A_115 = arith.constant 512 : i32
      %ge3A_116 = vector.broadcast %ge3A_115 : i32 to vector<8x2048xi32>
      %ge3A_117 = arith.cmpi sge, %iota3A_32, %ge3A_116 : vector<8x2048xi32>
      %jit3A_118 = arith.constant 0 : i32
      %broadcast_in_dim3A_119 = vector.broadcast %jit3A_118 : i32 to vector<8x2048xi32>
      %select_n3A_120 = arith.select %ge3A_117, %roll3A_114, %broadcast_in_dim3A_119 : vector<8x2048xi1>, vector<8x2048xi32>
      %add3A_121 = arith.addi %add3A_112, %select_n3A_120 : vector<8x2048xi32>
      %roll3A_122 = arith.constant 1024 : i32
      %roll3A_123 = tpu.dynamic_rotate %add3A_121 by %roll3A_122 dim 1 : vector<8x2048xi32>, i32 -> vector<8x2048xi32>
      %ge3A_124 = arith.constant 1024 : i32
      %ge3A_125 = vector.broadcast %ge3A_124 : i32 to vector<8x2048xi32>
      %ge3A_126 = arith.cmpi sge, %iota3A_32, %ge3A_125 : vector<8x2048xi32>
      %jit3A_127 = arith.constant 0 : i32
      %broadcast_in_dim3A_128 = vector.broadcast %jit3A_127 : i32 to vector<8x2048xi32>
      %select_n3A_129 = arith.select %ge3A_126, %roll3A_123, %broadcast_in_dim3A_128 : vector<8x2048xi1>, vector<8x2048xi32>
      %add3A_130 = arith.addi %add3A_121, %select_n3A_129 : vector<8x2048xi32>
      %mul3A = arith.muli %convert_element_type3A_31, %add3A_130 : vector<8x2048xi32>
      %reduce_sum3A = arith.constant dense<0> : vector<2048xi32>
      %reduce_sum3A_131 = vector.multi_reduction <add>, %mul3A, %reduce_sum3A [0] : vector<8x2048xi32> to vector<2048xi32>
      %broadcast_in_dim3A_132 = vector.shape_cast %reduce_sum3A_131 : vector<2048xi32> to vector<1x2048xi32>
      %sub3A = arith.constant 1 : i32
      %sub3A_133 = vector.broadcast %sub3A : i32 to vector<1x2048xi32>
      %sub3A_134 = arith.subi %broadcast_in_dim3A_132, %sub3A_133 : vector<1x2048xi32>
      %get3A_135 = arith.constant 0 : index
      %get3A_136 = arith.constant 0 : index
      %get3A_137 = vector.load %arg9[%get3A_135, %get3A_136] : memref<8x1xi32, #tpu.memory_space<vmem>>, vector<8x1xi32>
      %mul3A_138 = vector.broadcast %get3A_137 : vector<8x1xi32> to vector<8x2048xi32>
      %mul3A_139 = arith.muli %convert_element_type3A_31, %mul3A_138 : vector<8x2048xi32>
      %reduce_sum3A_140 = arith.constant dense<0> : vector<2048xi32>
      %reduce_sum3A_141 = vector.multi_reduction <add>, %mul3A_139, %reduce_sum3A_140 [0] : vector<8x2048xi32> to vector<2048xi32>
      %broadcast_in_dim3A_142 = vector.shape_cast %reduce_sum3A_141 : vector<2048xi32> to vector<1x2048xi32>
      %add3A_143 = arith.addi %sub3A_134, %broadcast_in_dim3A_142 : vector<1x2048xi32>
      %mul3A_144 = arith.muli %convert_element_type3A_31, %iota3A : vector<8x2048xi32>
      %reduce_sum3A_145 = arith.constant dense<0> : vector<2048xi32>
      %reduce_sum3A_146 = vector.multi_reduction <add>, %mul3A_144, %reduce_sum3A_145 [0] : vector<8x2048xi32> to vector<2048xi32>
      %broadcast_in_dim3A_147 = vector.shape_cast %reduce_sum3A_146 : vector<2048xi32> to vector<1x2048xi32>
      %swap3A = arith.index_cast %arg1 : i32 to index
      %swap3A_148 = arith.constant 0 : index
      %swap3A_149 = vector.load %arg7[%swap3A, %swap3A_148] : memref<4x2048xi32, #tpu.memory_space<vmem>>, vector<1x2048xi32>
      tpu.vector_store %arg7[%swap3A, %swap3A_148], %broadcast_in_dim3A_147 {strides = array<i32>} : memref<4x2048xi32, #tpu.memory_space<vmem>>, vector<1x2048xi32>,
      %swap3A_150 = arith.index_cast %arg1 : i32 to index
      %swap3A_151 = arith.constant 0 : index
      %swap3A_152 = vector.load %arg8[%swap3A_150, %swap3A_151] : memref<4x2048xi32, #tpu.memory_space<vmem>>, vector<1x2048xi32>
      tpu.vector_store %arg8[%swap3A_150, %swap3A_151], %add3A_143 {strides = array<i32>} : memref<4x2048xi32, #tpu.memory_space<vmem>>, vector<1x2048xi32>,
      %get3A_153 = arith.constant 0 : index
      %get3A_154 = arith.constant 0 : index
      %get3A_155 = vector.load %arg9[%get3A_153, %get3A_154] : memref<8x1xi32, #tpu.memory_space<vmem>>, vector<8x1xi32>
      %slice3A = vector.extract_strided_slice %add3A_130 {offsets = [0, 2047], sizes = [8, 1], strides = [1, 1]} : vector<8x2048xi32> to vector<8x1xi32>
      %add3A_156 = arith.addi %get3A_155, %slice3A : vector<8x1xi32>
      %swap3A_157 = arith.constant 0 : index
      %swap3A_158 = arith.constant 0 : index
      %swap3A_159 = vector.load %arg9[%swap3A_157, %swap3A_158] : memref<8x1xi32, #tpu.memory_space<vmem>>, vector<8x1xi32>
      tpu.vector_store %arg9[%swap3A_157, %swap3A_158], %add3A_156 {strides = array<i32>} : memref<8x1xi32, #tpu.memory_space<vmem>>, vector<8x1xi32>,
    } else {
    }
    %eq3A_9 = arith.constant 1 : i32
    %eq3A_10 = arith.cmpi eq, %arg0, %eq3A_9 : i32
    %convert_element_type3A_11 = arith.extui %eq3A_10 : i1 to i32
    %cond3A_12 = arith.constant 0 : i32
    %cond3A_13 = arith.cmpi ne, %convert_element_type3A_11, %cond3A_12 : i32
    scf.if %cond3A_13 {
      %eq3A_14 = arith.constant 0 : i32
      %eq3A_15 = arith.cmpi eq, %arg1, %eq3A_14 : i32
      %convert_element_type3A_16 = arith.extui %eq3A_15 : i1 to i32
      %cond3A_17 = arith.constant 0 : i32
      %cond3A_18 = arith.cmpi ne, %convert_element_type3A_16, %cond3A_17 : i32
      scf.if %cond3A_18 {
        %get3A_35 = arith.constant 0 : index
        %get3A_36 = arith.constant 0 : index
        %get3A_37 = vector.load %arg9[%get3A_35, %get3A_36] : memref<8x1xi32, #tpu.memory_space<vmem>>, vector<8x1xi32>
        %add3A_38 = arith.constant 256 : i32
        %add3A_39 = vector.broadcast %add3A_38 : i32 to vector<8x1xi32>
        %add3A_40 = arith.addi %get3A_37, %add3A_39 : vector<8x1xi32>
        %sub3A = arith.constant 1 : i32
        %sub3A_41 = vector.broadcast %sub3A : i32 to vector<8x1xi32>
        %sub3A_42 = arith.subi %add3A_40, %sub3A_41 : vector<8x1xi32>
        %jit3A = arith.constant 256 : i32
        %div3A = vector.broadcast %jit3A : i32 to vector<8x1xi32>
        %div3A_43 = arith.divsi %sub3A_42, %div3A : vector<8x1xi32>
        %sign3A = arith.constant 0 : i32
        %sign3A_44 = vector.broadcast %sign3A : i32 to vector<8x1xi32>
        %sign3A_45 = arith.cmpi sgt, %sub3A_42, %sign3A_44 : vector<8x1xi32>
        %sign3A_46 = arith.extui %sign3A_45 : vector<8x1xi1> to vector<8x1xi32>
        %sign3A_47 = arith.constant 0 : i32
        %sign3A_48 = vector.broadcast %sign3A_47 : i32 to vector<8x1xi32>
        %sign3A_49 = arith.cmpi slt, %sub3A_42, %sign3A_48 : vector<8x1xi32>
        %sign3A_50 = arith.extui %sign3A_49 : vector<8x1xi1> to vector<8x1xi32>
        %sign3A_51 = arith.subi %sign3A_46, %sign3A_50 : vector<8x1xi32>
        %sign3A_52 = arith.constant 0 : i32
        %sign3A_53 = arith.cmpi sgt, %jit3A, %sign3A_52 : i32
        %sign3A_54 = arith.extui %sign3A_53 : i1 to i32
        %sign3A_55 = arith.constant 0 : i32
        %sign3A_56 = arith.cmpi slt, %jit3A, %sign3A_55 : i32
        %sign3A_57 = arith.extui %sign3A_56 : i1 to i32
        %sign3A_58 = arith.subi %sign3A_54, %sign3A_57 : i32
        %ne3A = vector.broadcast %sign3A_58 : i32 to vector<8x1xi32>
        %ne3A_59 = arith.cmpi ne, %sign3A_51, %ne3A : vector<8x1xi32>
        %rem3A = vector.broadcast %jit3A : i32 to vector<8x1xi32>
        %rem3A_60 = arith.remsi %sub3A_42, %rem3A : vector<8x1xi32>
        %ne3A_61 = arith.constant 0 : i32
        %ne3A_62 = vector.broadcast %ne3A_61 : i32 to vector<8x1xi32>
        %ne3A_63 = arith.cmpi ne, %rem3A_60, %ne3A_62 : vector<8x1xi32>
        %and3A_64 = arith.andi %ne3A_59, %ne3A_63 : vector<8x1xi1>
        %sub3A_65 = arith.constant 1 : i32
        %sub3A_66 = vector.broadcast %sub3A_65 : i32 to vector<8x1xi32>
        %sub3A_67 = arith.subi %div3A_43, %sub3A_66 : vector<8x1xi32>
        %select_n3A = arith.select %and3A_64, %sub3A_67, %div3A_43 : vector<8x1xi1>, vector<8x1xi32>
        %mul3A_68 = arith.constant 256 : i32
        %mul3A_69 = vector.broadcast %mul3A_68 : i32 to vector<8x1xi32>
        %mul3A_70 = arith.muli %select_n3A, %mul3A_69 : vector<8x1xi32>
        %iota3A_71 = tpu.iota {dimensions = array<i32: 1>} : vector<8x8xi32>
        %iota3A_72 = tpu.iota {dimensions = array<i32: 0>} : vector<8x8xi32>
        %broadcast_in_dim3A_73 = vector.shape_cast %mul3A_70 : vector<8x1xi32> to vector<8x1xi32>
        %broadcast_in_dim3A_74 = vector.broadcast %broadcast_in_dim3A_73 : vector<8x1xi32> to vector<8x8xi32>
        %transpose3A = tpu.transpose %broadcast_in_dim3A_74, [1, 0] : vector<8x8xi32> -> vector<8x8xi32>
        %lt3A = arith.cmpi slt, %iota3A_71, %iota3A_72 : vector<8x8xi32>
        %jit3A_75 = arith.constant 0 : i32
        %broadcast_in_dim3A_76 = vector.broadcast %jit3A_75 : i32 to vector<8x8xi32>
        %select_n3A_77 = arith.select %lt3A, %transpose3A, %broadcast_in_dim3A_76 : vector<8x8xi1>, vector<8x8xi32>
        %reduce_sum3A_78 = arith.constant dense<0> : vector<8xi32>
        %reduce_sum3A_79 = vector.multi_reduction <add>, %select_n3A_77, %reduce_sum3A_78 [1] : vector<8x8xi32> to vector<8xi32>
        %broadcast_in_dim3A_80 = vector.shape_cast %reduce_sum3A_79 : vector<8xi32> to vector<8x1xi32>
        %swap3A_81 = arith.constant 0 : index
        %swap3A_82 = arith.constant 0 : index
        %swap3A_83 = vector.load %arg10[%swap3A_81, %swap3A_82] : memref<8x1xi32, #tpu.memory_space<vmem>>, vector<8x1xi32>
        tpu.vector_store %arg10[%swap3A_81, %swap3A_82], %broadcast_in_dim3A_80 {strides = array<i32>} : memref<8x1xi32, #tpu.memory_space<vmem>>, vector<8x1xi32>,
        %iota3A_84 = tpu.iota {dimensions = array<i32: 1>} : vector<8x39xi32>
        %mul3A_85 = arith.constant 256 : i32
        %mul3A_86 = vector.broadcast %mul3A_85 : i32 to vector<8x39xi32>
        %mul3A_87 = arith.muli %iota3A_84, %mul3A_86 : vector<8x39xi32>
        %ge3A = vector.broadcast %broadcast_in_dim3A_80 : vector<8x1xi32> to vector<8x39xi32>
        %ge3A_88 = arith.cmpi sge, %mul3A_87, %ge3A : vector<8x39xi32>
        %convert_element_type3A_89 = arith.extui %ge3A_88 : vector<8x39xi1> to vector<8x39xi32>
        %reduce_sum3A_90 = arith.constant dense<0> : vector<39xi32>
        %reduce_sum3A_91 = vector.multi_reduction <add>, %convert_element_type3A_89, %reduce_sum3A_90 [0] : vector<8x39xi32> to vector<39xi32>
        %broadcast_in_dim3A_92 = vector.shape_cast %reduce_sum3A_91 : vector<39xi32> to vector<1x39xi32>
        %sub3A_93 = arith.constant 1 : i32
        %sub3A_94 = vector.broadcast %sub3A_93 : i32 to vector<1x39xi32>
        %sub3A_95 = arith.subi %broadcast_in_dim3A_92, %sub3A_94 : vector<1x39xi32>
        %jit3A_96 = arith.constant 0 : i32
        %jit3A_97 = arith.constant 7 : i32
        %max3A = vector.broadcast %jit3A_96 : i32 to vector<1x39xi32>
        %max3A_98 = arith.maxsi %max3A, %sub3A_95 : vector<1x39xi32>
        %min3A = vector.broadcast %jit3A_97 : i32 to vector<1x39xi32>
        %min3A_99 = arith.minsi %min3A, %max3A_98 : vector<1x39xi32>
        %swap3A_100 = arith.constant 0 : index
        %swap3A_101 = arith.constant 0 : index
        %swap3A_102 = vector.load %arg6[%swap3A_100, %swap3A_101] : memref<1x39xi32, #tpu.memory_space<vmem>>, vector<1x39xi32>
        tpu.vector_store %arg6[%swap3A_100, %swap3A_101], %min3A_99 {strides = array<i32>} : memref<1x39xi32, #tpu.memory_space<vmem>>, vector<1x39xi32>,
      } else {
      }
      %get3A = arith.index_cast %arg1 : i32 to index
      %get3A_19 = arith.constant 0 : index
      %get3A_20 = vector.load %arg7[%get3A, %get3A_19] : memref<4x2048xi32, #tpu.memory_space<vmem>>, vector<1x2048xi32>
      %eq3A_21 = vector.broadcast %get3A_20 : vector<1x2048xi32> to vector<8x2048xi32>
      %eq3A_22 = arith.cmpi eq, %iota3A, %eq3A_21 : vector<8x2048xi32>
      %convert_element_type3A_23 = arith.extui %eq3A_22 : vector<8x2048xi1> to vector<8x2048xi32>
      %get3A_24 = arith.constant 0 : index
      %get3A_25 = arith.constant 0 : index
      %get3A_26 = vector.load %arg10[%get3A_24, %get3A_25] : memref<8x1xi32, #tpu.memory_space<vmem>>, vector<8x1xi32>
      %mul3A = vector.broadcast %get3A_26 : vector<8x1xi32> to vector<8x2048xi32>
      %mul3A_27 = arith.muli %convert_element_type3A_23, %mul3A : vector<8x2048xi32>
      %reduce_sum3A = arith.constant dense<0> : vector<2048xi32>
      %reduce_sum3A_28 = vector.multi_reduction <add>, %mul3A_27, %reduce_sum3A [0] : vector<8x2048xi32> to vector<2048xi32>
      %broadcast_in_dim3A = vector.shape_cast %reduce_sum3A_28 : vector<2048xi32> to vector<1x2048xi32>
      %get3A_29 = arith.index_cast %arg1 : i32 to index
      %get3A_30 = arith.constant 0 : index
      %get3A_31 = vector.load %arg8[%get3A_29, %get3A_30] : memref<4x2048xi32, #tpu.memory_space<vmem>>, vector<1x2048xi32>
      %add3A = arith.addi %broadcast_in_dim3A, %get3A_31 : vector<1x2048xi32>
      %reshape3A = vector.shape_cast %add3A : vector<1x2048xi32> to vector<1x1x2048xi32>
      %swap3A = arith.constant 0 : index
      %swap3A_32 = arith.constant 0 : index
      %swap3A_33 = arith.constant 0 : index
      %swap3A_34 = vector.load %arg5[%swap3A, %swap3A_32, %swap3A_33] : memref<1x1x2048xi32, #tpu.memory_space<vmem>>, vector<1x1x2048xi32>
      tpu.vector_store %arg5[%swap3A, %swap3A_32, %swap3A_33], %reshape3A {strides = array<i32>} : memref<1x1x2048xi32, #tpu.memory_space<vmem>>, vector<1x1x2048xi32>,
    } else {
    }
    return
  }
  func.func @transform_0(%arg0: i32, %arg1: i32) -> (i32, i32) {
    %sub3A = arith.constant 1 : i32
    %sub3A_0 = arith.subi %sub3A, %arg0 : i32
    %mul3A = arith.muli %sub3A_0, %arg1 : i32
    %c0_i32 = arith.constant 0 : i32
    %c0_i32_1 = arith.constant 0 : i32
    return %mul3A, %c0_i32 : i32, i32
  }
  func.func @transform_1(%arg0: i32, %arg1: i32) -> (i32, i32) {
    %c0_i32 = arith.constant 0 : i32
    %c0_i32_0 = arith.constant 0 : i32
    %c0_i32_1 = arith.constant 0 : i32
    return %c0_i32, %c0_i32_0 : i32, i32
  }
  func.func @transform_2(%arg0: i32, %arg1: i32) -> (i32, i32) {
    %c0_i32 = arith.constant 0 : i32
    %c0_i32_0 = arith.constant 0 : i32
    %c0_i32_1 = arith.constant 0 : i32
    return %c0_i32, %c0_i32_0 : i32, i32
  }
  func.func @transform_3(%arg0: i32, %arg1: i32) -> (i32, i32, i32) {
    %c0_i32 = arith.constant 0 : i32
    %c0_i32_0 = arith.constant 0 : i32
    %c0_i32_1 = arith.constant 0 : i32
    return %arg1, %c0_i32, %c0_i32_0 : i32, i32, i32
  }
  func.func @transform_4(%arg0: i32, %arg1: i32) -> (i32, i32) {
    %c0_i32 = arith.constant 0 : i32
    %c0_i32_0 = arith.constant 0 : i32
    %c0_i32_1 = arith.constant 0 : i32
    return %c0_i32, %c0_i32_0 : i32, i32
  }
}

module attributes {stable_mosaic.version = 14 : i64} {
  func.func @_moe_body(%arg0: i32, %arg1: memref<39xi32, #tpu.memory_space<smem>>, %arg2: memref<256x768xf32, #tpu.memory_space<vmem>>, %arg3: memref<8x469x768xf32, #tpu.memory_space<vmem>>, %arg4: memref<8x469x768xf32, #tpu.memory_space<vmem>>, %arg5: memref<8x768x469xf32, #tpu.memory_space<vmem>>, %arg6: memref<256x768xf32, #tpu.memory_space<vmem>>) attributes {dimension_semantics = [#tpu.dimension_semantics<arbitrary>], iteration_bounds = array<i64: 39>, scalar_prefetch = 1 : i64, scratch_operands = 0 : i64, tpu.core_type = #tpu.core_type<tc>, window_params = [{transform_indices = @transform_0, window_bounds = array<i64: 256, 768>}, {pipeline_mode = #tpu.pipeline_mode<synchronous>, transform_indices = @transform_1, window_bounds = array<i64: 8, 469, 768>}, {pipeline_mode = #tpu.pipeline_mode<synchronous>, transform_indices = @transform_2, window_bounds = array<i64: 8, 469, 768>}, {pipeline_mode = #tpu.pipeline_mode<synchronous>, transform_indices = @transform_3, window_bounds = array<i64: 8, 768, 469>}, {transform_indices = @transform_4, window_bounds = array<i64: 256, 768>}]} {
    %get3A = arith.index_cast %arg0 : i32 to index
    %get3A_0 = memref.load %arg1[%get3A] : memref<39xi32, #tpu.memory_space<smem>>
    %get3A_1 = arith.constant 0 : index
    %get3A_2 = arith.constant 0 : index
    %get3A_3 = vector.load %arg2[%get3A_1, %get3A_2] : memref<256x768xf32, #tpu.memory_space<vmem>>, vector<256x768xf32>
    %get3A_4 = arith.index_cast %get3A_0 : i32 to index
    %get3A_5 = arith.constant 0 : index
    %get3A_6 = arith.constant 0 : index
    %get3A_7 = vector.load %arg3[%get3A_4, %get3A_5, %get3A_6] : memref<8x469x768xf32, #tpu.memory_space<vmem>>, vector<1x469x768xf32>
    %get3A_8 = vector.shape_cast %get3A_7 : vector<1x469x768xf32> to vector<469x768xf32>
    %dot_general3A = arith.constant dense<0.000000e+00> : vector<256x469xf32>
    %dot_general3A_9 = tpu.matmul %get3A_3, %get3A_8, %dot_general3A {dimension_numbers = #tpu.dot_dimension_numbers<[1], [1], [0], [0], [0, 0, 1, 0], [], []>, transpose_lhs_hint = false} : vector<256x768xf32>, vector<469x768xf32>, vector<256x469xf32> -> vector<256x469xf32>
    %get3A_10 = arith.index_cast %get3A_0 : i32 to index
    %get3A_11 = arith.constant 0 : index
    %get3A_12 = arith.constant 0 : index
    %get3A_13 = vector.load %arg4[%get3A_10, %get3A_11, %get3A_12] : memref<8x469x768xf32, #tpu.memory_space<vmem>>, vector<1x469x768xf32>
    %get3A_14 = vector.shape_cast %get3A_13 : vector<1x469x768xf32> to vector<469x768xf32>
    %dot_general3A_15 = arith.constant dense<0.000000e+00> : vector<256x469xf32>
    %dot_general3A_16 = tpu.matmul %get3A_3, %get3A_14, %dot_general3A_15 {dimension_numbers = #tpu.dot_dimension_numbers<[1], [1], [0], [0], [0, 0, 1, 0], [], []>, transpose_lhs_hint = false} : vector<256x768xf32>, vector<469x768xf32>, vector<256x469xf32> -> vector<256x469xf32>
    %logistic3A = arith.negf %dot_general3A_9 : vector<256x469xf32>
    %logistic3A_17 = math.exp %logistic3A : vector<256x469xf32>
    %logistic3A_18 = arith.constant 1.000000e+00 : f32
    %logistic3A_19 = vector.broadcast %logistic3A_18 : f32 to vector<256x469xf32>
    %logistic3A_20 = arith.addf %logistic3A_19, %logistic3A_17 : vector<256x469xf32>
    %logistic3A_21 = arith.divf %logistic3A_19, %logistic3A_20 : vector<256x469xf32>
    %mul3A = arith.mulf %dot_general3A_9, %logistic3A_21 : vector<256x469xf32>
    %mul3A_22 = arith.mulf %mul3A, %dot_general3A_16 : vector<256x469xf32>
    %get3A_23 = arith.index_cast %get3A_0 : i32 to index
    %get3A_24 = arith.constant 0 : index
    %get3A_25 = arith.constant 0 : index
    %get3A_26 = vector.load %arg5[%get3A_23, %get3A_24, %get3A_25] : memref<8x768x469xf32, #tpu.memory_space<vmem>>, vector<1x768x469xf32>
    %get3A_27 = vector.shape_cast %get3A_26 : vector<1x768x469xf32> to vector<768x469xf32>
    %dot_general3A_28 = arith.constant dense<0.000000e+00> : vector<256x768xf32>
    %dot_general3A_29 = tpu.matmul %mul3A_22, %get3A_27, %dot_general3A_28 {dimension_numbers = #tpu.dot_dimension_numbers<[1], [1], [0], [0], [0, 0, 1, 0], [], []>, transpose_lhs_hint = false} : vector<256x469xf32>, vector<768x469xf32>, vector<256x768xf32> -> vector<256x768xf32>
    %swap3A = arith.constant 0 : index
    %swap3A_30 = arith.constant 0 : index
    %swap3A_31 = vector.load %arg6[%swap3A, %swap3A_30] : memref<256x768xf32, #tpu.memory_space<vmem>>, vector<256x768xf32>
    tpu.vector_store %arg6[%swap3A, %swap3A_30], %dot_general3A_29 {strides = array<i32>} : memref<256x768xf32, #tpu.memory_space<vmem>>, vector<256x768xf32>,
    return
  }
  func.func @transform_0(%arg0: i32, %arg1: memref<39xi32, #tpu.memory_space<smem>>) -> (i32, i32) {
    %c0_i32 = arith.constant 0 : i32
    %c0_i32_0 = arith.constant 0 : i32
    return %arg0, %c0_i32 : i32, i32
  }
  func.func @transform_1(%arg0: i32, %arg1: memref<39xi32, #tpu.memory_space<smem>>) -> (i32, i32, i32) {
    %c0_i32 = arith.constant 0 : i32
    %c0_i32_0 = arith.constant 0 : i32
    %c0_i32_1 = arith.constant 0 : i32
    %c0_i32_2 = arith.constant 0 : i32
    return %c0_i32, %c0_i32_0, %c0_i32_1 : i32, i32, i32
  }
  func.func @transform_2(%arg0: i32, %arg1: memref<39xi32, #tpu.memory_space<smem>>) -> (i32, i32, i32) {
    %c0_i32 = arith.constant 0 : i32
    %c0_i32_0 = arith.constant 0 : i32
    %c0_i32_1 = arith.constant 0 : i32
    %c0_i32_2 = arith.constant 0 : i32
    return %c0_i32, %c0_i32_0, %c0_i32_1 : i32, i32, i32
  }
  func.func @transform_3(%arg0: i32, %arg1: memref<39xi32, #tpu.memory_space<smem>>) -> (i32, i32, i32) {
    %c0_i32 = arith.constant 0 : i32
    %c0_i32_0 = arith.constant 0 : i32
    %c0_i32_1 = arith.constant 0 : i32
    %c0_i32_2 = arith.constant 0 : i32
    return %c0_i32, %c0_i32_0, %c0_i32_1 : i32, i32, i32
  }
  func.func @transform_4(%arg0: i32, %arg1: memref<39xi32, #tpu.memory_space<smem>>) -> (i32, i32) {
    %c0_i32 = arith.constant 0 : i32
    %c0_i32_0 = arith.constant 0 : i32
    return %arg0, %c0_i32 : i32, i32
  }
}

</mosaic_0001>

<sc_bundles>
// kernel: kernel.6.cloned.1.call-start
scs
__scs_entry_jumppad:
0x0: {  	(pc) =	sbr.rel $0x88, $3  }
0x1: {  	(tag) =	ssettag $0x0;
	lr =	simm.s32 $0x1  }
0x2: {  	[smem:$0x3F9B] =	sst lr;
	_ =	strace $0xD0000000  }
0x3: {  	_ = 	snop  }
0x4: {  	_ = 	snop  }
0x5: {  	_ = 	snop  }
0x6: {  	_ = 	snop  }
0x7: {  	_ = 	snop  }
__scs_overlays_trampoline_lowered:
0x8: {  	[smem:$0x3FAA] =	sst s0  }
0x9: {  	[smem:$0x3FAB] =	sst s1  }
0xa: {  	[smem:$0x3FAC] =	sst s2  }
0xb: {  	[smem:$0x3FAD] =	sst s3  }
0xc: {  	[smem:$0x3FAE] =	sst s4  }
0xd: {  	[smem:$0x3FAF] =	sst s5  }
0xe: {  	[smem:$0x3FB0] =	sst s6  }
0xf: {  	[smem:$0x3FB1] =	sst s7  }
0x10: {  	[smem:$0x3FB2] =	sst s8  }
0x11: {  	[smem:$0x3FB3] =	sst s9;
	s0 =	simm.s32 @!p0 $0x0  }
0x12: {  	s1 =	sld [smem:$0x3F99];
	s0 =	simm.s32 @p0 $0x1  }
0x13: {  	[smem:$0x3FB4] =	sst s0;
	s0 =	simm.s32 @!p1 $0x0  }
0x14: {  	s2 =	sld [smem:$0x3F98];
	s0 =	simm.s32 @p1 $0x1  }
0x15: {  	[smem:$0x3FB5] =	sst s0;
	s0 =	simm.s32 @!p2 $0x0  }
0x16: {  	s3 =	sld [smem:$0x3FDB];
	s0 =	simm.s32 @p2 $0x1  }
0x17: {  	s4 =	simm.s32 $0x1BF5;
	[smem:$0x3FB7] =	sst s0  }
0x18: {  	s0 =	sld [smem:$0x3F9A];
	_ =	swait.ge [sflag:s4], $0x0  }
0x19: {  	s7 =	sld [smem:$0x3F9B]  }
0x1a: {  	s8 =	sadd.s32 $0xFFFFE003, lr  }
0x1b: {  	s9 =	sadd.s32 $0xFFFFFEF7, lr;
	s5 =	simm.s32 $0xFFFFFFFF;
	p2 =	slt.u32 s8, $0xFFFFF086  }
0x1c: {  	p1 =	slt.u32 s9, $0xF7A;
	s5 =	simm.s32 @!p2 $0x0  }
0x1d: {  	s5 =	simm.s32 @p1 $0x1;
	p0 =	seq.s32 s7, s2  }
0x1e: {  	s7 =	smul.u32 @!p0 $0xF7A, s2;
	p2 =	seq.s32 @!p0 s5, $0x0  }
0x1f: {  	s9 =	smul.u32 $0xF7A, s1;
	s8 =	simm.s32 @!p0 $0x1BF5;
	p2 =	por !p2, p0  }
0x20: {  	[sflag:s8] =	ssyncset.s32 @!p0 $0xFFFFF086;
	s6 =	sadd.s32 @!p0 s3, s7;
	s7 =	simm.s32 @!p0 $0x108  }
0x21: {  	s3 =	sadd.s32 s3, s9;
	s6 =	sadd.s32 @!p0 $0x88, s6;
	s7 =	simm.s32 @p2 $0x1082  }
0x22: {  	[simem:s7], [sflag:s8] =	dma.local @!p0 [hbm:s6], $0xF7A  }
0x23: {  	s9 =	sor.u32 $0xD0000000, s2;
	s6 =	simm.s32 $0x108;
	_ =	swait.ge @!p0 [sflag:s8], $0x0  }
0x24: {  	s3 =	sadd.s32 $0x88, s3;
	s6 =	simm.s32 @!p1 $0x1082;
	[sflag:s4] =	ssyncset.s32 $0xFFFFF086  }
0x25: {  	[simem:s6], [sflag:s4] =	dma.local [hbm:s3], $0xF7A  }
0x26: {  	[smem:$0x3F9B] =	sst s1;
	(tag) =	ssettag s2;
	_ =	strace s9  }
0x27: {  	s1 =	sld [smem:$0x3FAB]  }
0x28: {  	s2 =	sld [smem:$0x3FAC]  }
0x29: {  	s4 =	sld [smem:$0x3FAE]  }
0x2a: {  	p0 =	seq.s32 s5, $0x0;
	s5 =	sld [smem:$0x3FAF]  }
0x2b: {  	s6 =	sld [smem:$0x3FB0]  }
0x2c: {  	s7 =	sld [smem:$0x3FB1]  }
0x2d: {  	s3 =	simm.s32 $0x108;
	s8 =	sld [smem:$0x3FB2]  }
0x2e: {  	s3 =	simm.s32 @!p0 $0x1082;
	s9 =	sld [smem:$0x3FB3]  }
0x2f: {  	lr =	sadd.s32 s0, s3;
	s0 =	sld [smem:$0x3FAA]  }
0x30: {  	s3 =	sld [smem:$0x3FAD]  }
0x31: {  	[smem:$0x3FB6] =	sst s10  }
0x32: {  	s10 =	sld [smem:$0x3FB4];
	_ =	sdelay $0x3  }
0x33: {  	p0 =	seq.s32 s10, $0x1;
	s10 =	sld [smem:$0x3FB6];
	_ =	sdelay $0x3  }
0x34: {  	[smem:$0x3FB6] =	sst s10  }
0x35: {  	s10 =	sld [smem:$0x3FB5];
	_ =	sdelay $0x3  }
0x36: {  	p1 =	seq.s32 s10, $0x1;
	s10 =	sld [smem:$0x3FB6];
	_ =	sdelay $0x3  }
0x37: {  	[smem:$0x3FB6] =	sst s10  }
0x38: {  	s10 =	sld [smem:$0x3FB7]  }
0x39: {  	_ = 	snop;
	(pc) =	sbr.ind lr, $3  }
0x3a: {  	_ = 	snop  }
0x3b: {  	_ = 	snop  }
0x3c: {  	p2 =	seq.s32 s10, $0x1;
	s10 =	sld [smem:$0x3FB6]  }
0x3d: {  	_ =	shalt  }
0x3e: {  	_ =	shalt  }
0x3f: {  	_ =	shalt  }
0x40: {  	_ =	shalt  }
0x41: {  	_ =	shalt  }
0x42: {  	_ =	shalt  }
0x43: {  	_ =	shalt  }
0x44: {  	_ =	shalt  }
0x45: {  	_ =	shalt  }
0x46: {  	_ =	shalt  }
0x47: {  	_ =	shalt  }
0x48: {  	_ =	shalt  }
0x49: {  	_ =	shalt  }
0x4a: {  	_ =	shalt  }
0x4b: {  	_ =	shalt  }
0x4c: {  	_ =	shalt  }
0x4d: {  	_ =	shalt  }
0x4e: {  	_ =	shalt  }
0x4f: {  	_ =	shalt  }
0x50: {  	_ =	shalt  }
0x51: {  	_ =	shalt  }
0x52: {  	_ =	shalt  }
0x53: {  	_ =	shalt  }
0x54: {  	_ =	shalt  }
0x55: {  	_ =	shalt  }
0x56: {  	_ =	shalt  }
0x57: {  	_ =	shalt  }
0x58: {  	_ =	shalt  }
0x59: {  	_ =	shalt  }
0x5a: {  	_ =	shalt  }
0x5b: {  	_ =	shalt  }
0x5c: {  	_ =	shalt  }
0x5d: {  	_ =	shalt  }
0x5e: {  	_ =	shalt  }
0x5f: {  	_ =	shalt  }
0x60: {  	_ =	shalt  }
0x61: {  	_ =	shalt  }
0x62: {  	_ =	shalt  }
0x63: {  	_ =	shalt  }
0x64: {  	_ =	shalt  }
0x65: {  	_ =	shalt  }
0x66: {  	_ =	shalt  }
0x67: {  	_ =	shalt  }
0x68: {  	_ =	shalt  }
0x69: {  	_ =	shalt  }
0x6a: {  	_ =	shalt  }
0x6b: {  	_ =	shalt  }
0x6c: {  	_ =	shalt  }
0x6d: {  	_ =	shalt  }
0x6e: {  	_ =	shalt  }
0x6f: {  	_ =	shalt  }
0x70: {  	_ =	shalt  }
0x71: {  	_ =	shalt  }
0x72: {  	_ =	shalt  }
0x73: {  	_ =	shalt  }
0x74: {  	_ =	shalt  }
0x75: {  	_ =	shalt  }
0x76: {  	_ =	shalt  }
0x77: {  	_ =	shalt  }
0x78: {  	_ =	shalt  }
0x79: {  	_ =	shalt  }
0x7a: {  	_ =	shalt  }
0x7b: {  	_ =	shalt  }
0x7c: {  	_ =	shalt  }
0x7d: {  	_ =	shalt  }
0x7e: {  	_ =	shalt  }
0x7f: {  	_ =	shalt  }
0x80: {  	_ =	shalt  }
0x81: {  	_ =	shalt  }
0x82: {  	_ =	shalt  }
0x83: {  	_ =	shalt  }
0x84: {  	_ =	shalt  }
0x85: {  	_ =	shalt  }
0x86: {  	_ =	shalt  }
0x87: {  	_ =	shalt  }
.Lfunc_end0:
.L_simem_size_0:
called_computation_lowered:
.L_overlay_start_0:
0x88: {  	s2 =	sld [smem:$0x3FD9]  }
0x89: {  	s3 =	sld [smem:$0x3FFE];
	_ =	sdelay $0x1  }
0x8a: {  	s1 =	srdreg.scid  }
0x8b: {  	s0 =	sand.u32 $0x1, s1  }
0x8c: {  	s17 =	sshll.u32 s0, $0xA;
	s2 =	sadd.s32 s3, s2  }
0x8d: {  	s2 =	sadd.s32 s2, s17  }
0x8e: {  	[smem:$0x3FC2] =	sst s2  }
0x8f: {  	_ = 	snop  }
0x90: {  	s2 =	sld [smem:$0x3FC9];
	(tm) =	ssettm $0x1  }
0x91: {  	s18 =	sld [smem:$0x3FFB];
	_ =	sdelay $0x3  }
0x92: {  	_ =	strace s18  }
0x93: {  	s3 =	sld [smem:$0x3FFC];
	_ =	sdelay $0x3  }
0x94: {  	_ =	strace s3  }
0x95: {  	s3 =	sld [smem:$0x3FFD];
	_ =	sdelay $0x3  }
0x96: {  	_ =	strace s3  }
0x97: {  	_ =	strace $0x8FFFFFFF  }
0x98: {  	s19 =	sld [smem:$0x3FDB];
	_ =	sdelay $0x1  }
0x99: {  	s4 =	simm.s32 $_scs_section_size  }
0x9a: {  	s5 =	simm.s32 $_size__tile_overlayer_lowered;
	s6 =	simm.s32 $_tile_overlayer_lowered  }
0x9b: {  	s22 =	simm.s32 $0x1BFF;
	s21 =	sshll.u32 s6, $0x1;
	s3 =	sadd.s32 s4, s19  }
0x9c: {  	s7 =	simm.s32 $0x0;
	s20 =	sshll.u32 s5, $0x1;
	s5 =	sadd.s32 s21, s3  }
0x9d: {  	[timem:s7], [sflag:s22] =	dma.local [hbm:s5], s20  }
0x9e: {  	_ =	swait.ge [sflag:s22], s20  }
0x9f: {  	s4 =	ssub.s32 $0x0, s20;
	[sflag:s22] =	ssyncset.done $0x0  }
0xa0: {  	[sflag:s22] =	ssyncadd.s32 s4;
	_ =	sdelay $0x1  }
0xa1: {  	s23 =	simm.s32 $0x1B8B  }
0xa2: {  	_ =	swait.ge [sflag:s23], $0x1  }
0xa3: {  	[sflag:s23] =	ssyncset.done $0x0  }
0xa4: {  	s25 =	simm.s32 $0x1B8E;
	s24 =	sld [smem:$0x3FFE];
	[sflag:s23] =	ssyncadd.s32 $0xFFFFFFFF  }
0xa5: {  	s26 =	simm.s32 $execute0_lowered;
	[smem:$0x3FD2] =	sst s25  }
0xa6: {  	s5 =	sshll.u32 s26, $0x1;
	_ =	strace $0x80000046;
	[dreg:$0x1] =	wrdreg $0xFFFFFFFF  }
0xa7: {  	s28 =	simm.s32 $_size_execute0_lowered;
	s3 =	sadd.s32 s3, s5;
	[dreg:$0x0] =	wrdreg $0x0  }
0xa8: {  	s5 =	sshll.u32 s28, $0x1;
	[dreg:$0x2] =	wrdreg s3  }
0xa9: {  	[dreg:$0x3] =	wrdreg s5  }
0xaa: {  	[dreg:$0x4] =	wrdreg $0xC0  }
0xab: {  	_ =	task [dreg:s7], $0x5FFFF  }
0xac: {  	[dreg:$0x1] =	wrdreg $0xFFFFFFFF  }
0xad: {  	[dreg:$0x0] =	wrdreg $0x60  }
0xae: {  	[dreg:$0x2] =	wrdreg s2  }
0xaf: {  	[dreg:$0x3] =	wrdreg s24  }
0xb0: {  	[dreg:$0x4] =	wrdreg $0x9  }
0xb1: {  	_ =	task.clear_ibuf [dreg:s7], $0x5FFFF;
	_ =	strace $0x90000046  }
0xb2: {  	s29 =	simm.s32 $0x9;
	_ =	strace $0x80000048  }
0xb3: {  	_ =	swait.ge [sflag:s29], $0x1  }
0xb4: {  	[sflag:s29] =	ssyncadd.s32 $0xFFFFFFFF  }
0xb5: {  	_ =	strace $0x90000048  }
0xb6: {  	_ =	sfence  }
0xb7: {  	s30 =	sld [smem:$0x0];
	_ =	sdelay $0x2  }
0xb8: {  	s31 =	sshll.u32 s1, $0xD;
	s1 =	sshrl.u32 s1, $0x2  }
0xb9: {  	s3 =	sand.u32 $0x4000, s31;
	s1 =	sadd.s32 s1, s30  }
0xba: {  	s0 =	sor.u32 s3, s0;
	s1 =	sshll.u32 s1, $0x11  }
0xbb: {  	s0 =	sor.u32 s1, s0  }
0xbc: {  	s0 =	sadd.s32 $0x8F2B, s0  }
0xbd: {  	[sflag:s0] =	ssyncadd.remote.s32 $0x1  }
0xbe: {  	_ =	sfence.sel $0xFFFF  }
0xbf: {  	[dreg:$0x0] =	wrdreg $0xFFFFFFFF;
	(pc) =	sbr.abs _section_cstart, $3  }
0xc0: {  	[dreg:$0x1] =	wrdreg $0xFFFFFFFF  }
0xc1: {  	_ =	task.clear_ibuf [dreg:s7], $0x2FFFF;
	_ =	strace $0x9FFFFFFF  }
0xc2: {  	(tm) =	ssettm $0x7FFFFFFF  }
0xc3: {  	_ =	shalt  }
tec
execute0_lowered:
.L_overlay_start_1:
0x0: {  	(tag) =	ssettag $0x1  }
0x1: {  	s0 =	rddreg [dreg:$0x0]  }
0x2: {  	s1 =	rddreg [dreg:$0x1];
	s2 =	simm.s32 $0x0  }
0x3: {  	s3 =	srdreg.scid;
	s4 =	stileid.u32;
	s10 =	simm.s32 $0x1  }
0x4: {  	s11 =	simm.s32 $0x2;
	s13 =	simm.s32 $0x900;
	s14 =	simm.s32 $0x1100  }
0x5: {  	s28 =	simm.s32 $0x7900;
	s29 =	simm.s32 $0x8100;
	s30 =	simm.s32 $0x8900  }
0x6: {  	s31 =	simm.s32 $0x9100;
	[smem:$0x7FF] =	sst s2;
	s3 =	sand.u32 $0x1, s3  }
0x7: {  	s4 =	sshll.u32 s4, $0x6;
	s6 =	sadd.s32 $0x1C00, s1;
	_ =	strace $0x80000047  }
0x8: {  	s5 =	sshll.u32 s3, $0x5;
	s7 =	ssub.s32 $0x2, s3;
	s3 =	sadd.s32 $0x2000, s1  }
0x9: {  	s4 =	sor.u32 s5, s4;
	s15 =	sshrl.u32 s7, $0x1;
	s5 =	sadd.s32 $0x2200, s1  }
0xa: {  	s8 =	smul.u32 $0x300, s4;
	s7 =	ssub.s32 s7, s15;
	s16 =	sadd.s32 s6, s4  }
0xb: {  	s9 =	sor.u32 $0x8, s4;
	s20 =	sor.u32 $0x10, s4;
	s24 =	sor.u32 $0x18, s4  }
0xc: {  	s4 =	sadd.s32 $0x2100, s1;
	s15 =	simm.s32 $0x1900;
	s18 =	smul.u32 $0x300, s9  }
0xd: {  	[dreg:$0x3] =	wrdreg s16;
	s19 =	sadd.s32 s6, s9;
	s22 =	smul.u32 $0x300, s20  }
0xe: {  	s23 =	sadd.s32 s6, s20;
	s26 =	smul.u32 $0x300, s24;
	s6 =	sadd.s32 s6, s24  }
0xf: {  	s16 =	simm.s32 $0x2100;
	s20 =	simm.s32 $0x4100;
	[dreg:$0x5] =	wrdreg s19  }
0x10: {  	s24 =	simm.s32 $0x6100;
	s17 =	sadd.s32 s0, s8;
	[dreg:$0x7] =	wrdreg s23  }
0x11: {  	[dreg:$0x9] =	wrdreg s6;
	s6 =	smax.u32 s7, $0x1;
	s7 =	simm.s32 $0x3  }
0x12: {  	s19 =	simm.s32 $0x3900;
	s23 =	simm.s32 $0x5900;
	[dreg:$0x4] =	wrdreg s17  }
0x13: {  	s21 =	sadd.s32 s0, s18;
	s25 =	sadd.s32 s0, s22;
	s0 =	sadd.s32 s0, s26  }
0x14: {  	v2 =	vlaneseq.u32;
	s17 =	simm.s32 $0x2900;
	s18 =	simm.s32 $0x3100;
	[dreg:$0x6] =	wrdreg s21  }
0x15: {  	vm0 =	vmmov $0xffff;
	v1 =	vshrl.u32 v2, $0x3;
	s22 =	simm.s32 $0x5100;
	s26 =	simm.s32 $0x7100;
	[dreg:$0x8] =	wrdreg s25  }
0x16: {  	v0 =	vand.u32 $0x7, v2;
	v2 =	vor.u32 $0x8, v2;
	v1 =	vmul.u32 $0x8, v1;
	[dreg:$0xa] =	wrdreg s0;
	s21 =	simm.s32 $0x4900;
	s25 =	simm.s32 $0x6900  }
.LBB2_1:
0x17: {  	s12 =	rddreg [dreg:$0x3]  }
0x18: {  	[tilespmem:s2], [sflag:$0x3] =	stream.linear.gather [hbm4b:s12+s2], $0x40, $0x38;
	[tilespmem:$0x18100] =	vst v63  }
0x19: {  	_ =	swait.ge [sflag:s7], $0x40  }
0x1a: {  	[sflag:s7] =	ssyncset.done $0x0  }
0x1b: {  	s9 =	simm.s32 $0x100;
	s8 =	rddreg [dreg:$0x4];
	[sflag:s7] =	ssyncadd.s32 $0xFFFFFFC0  }
0x1c: {  	[tilespmem:s9], [sflag:$0x3] =	stream.linear.gather [hbm4b:s8+s2], $0xC000, $0x38;
	[tilespmem:$0x18100] =	vst v63  }
0x1d: {  	_ =	swait.ge [sflag:s7], $0xC000  }
0x1e: {  	[sflag:s7] =	ssyncset.done $0x0  }
0x1f: {  	[sflag:s7] =	ssyncadd.s32 $0xFFFF4000  }
0x20: {  	v3 =	vld [tilespmem:$0x0];
	_ =	sdelay $0x4  }
0x21: {  	v4 =	vshrl.u32 v3, $0x3  }
0x22: {  	v4 =	vmul.u32 $0x30, v4  }
0x23: {  	v3 =	vand.u32 $0x7, v3  }
0x24: {  	v3 =	vor.u32 v3, v4  }
0x25: {  	v4 =	vperm.xlane v3, v0;
	_ =	sdelay $0x1  }
0x26: {  	v4 =	vadd.s32 v1, v4;
	_ =	sdelay $0x3  }
0x27: {  	v3 =	vperm.xlane v3, v2  }
0x28: {  	[hbm4b:s3+s2] =	stream.indirect_vreg.scatter [tilespmem:s9], [sflag:$0x1], $0x80, v4, vm0, $0xb8;
	[tilespmem:$0x18100] =	vst v63  }
0x29: {  	v3 =	vadd.s32 v1, v3  }
0x2a: {  	[hbm4b:s4+s2] =	stream.indirect_vreg.scatter [tilespmem:s13], [sflag:$0x1], $0x80, v4, vm0, $0xb8;
	[tilespmem:$0x18100] =	vst v63  }
0x2b: {  	_ = 	snop  }
0x2c: {  	[hbm4b:s5+s2] =	stream.indirect_vreg.scatter [tilespmem:s14], [sflag:$0x1], $0x80, v4, vm0, $0xb8;
	[tilespmem:$0x18100] =	vst v63  }
0x2d: {  	_ = 	snop  }
0x2e: {  	[hbm4b:s3+s2] =	stream.indirect_vreg.scatter [tilespmem:s15], [sflag:$0x1], $0x80, v3, vm0, $0xb8;
	[tilespmem:$0x18100] =	vst v63  }
0x2f: {  	_ = 	snop  }
0x30: {  	[hbm4b:s4+s2] =	stream.indirect_vreg.scatter [tilespmem:s16], [sflag:$0x1], $0x80, v3, vm0, $0xb8;
	[tilespmem:$0x18100] =	vst v63  }
0x31: {  	_ = 	snop  }
0x32: {  	[hbm4b:s5+s2] =	stream.indirect_vreg.scatter [tilespmem:s17], [sflag:$0x1], $0x80, v3, vm0, $0xb8;
	[tilespmem:$0x18100] =	vst v63  }
0x33: {  	v3 =	vld [tilespmem:$0x10];
	_ =	sdelay $0x4  }
0x34: {  	v49 =	vshrl.u32 v3, $0x3  }
0x35: {  	v4 =	vmul.u32 $0x30, v49  }
0x36: {  	v3 =	vand.u32 $0x7, v3  }
0x37: {  	v3 =	vor.u32 v3, v4  }
0x38: {  	v4 =	vperm.xlane v3, v0;
	_ =	sdelay $0x1  }
0x39: {  	v4 =	vadd.s32 v1, v4;
	_ =	sdelay $0x3  }
0x3a: {  	v3 =	vperm.xlane v3, v2  }
0x3b: {  	[hbm4b:s3+s2] =	stream.indirect_vreg.scatter [tilespmem:s18], [sflag:$0x1], $0x80, v4, vm0, $0xb8;
	[tilespmem:$0x18100] =	vst v63  }
0x3c: {  	v3 =	vadd.s32 v1, v3  }
0x3d: {  	[hbm4b:s4+s2] =	stream.indirect_vreg.scatter [tilespmem:s19], [sflag:$0x1], $0x80, v4, vm0, $0xb8;
	[tilespmem:$0x18100] =	vst v63  }
0x3e: {  	_ = 	snop  }
0x3f: {  	[hbm4b:s5+s2] =	stream.indirect_vreg.scatter [tilespmem:s20], [sflag:$0x1], $0x80, v4, vm0, $0xb8;
	[tilespmem:$0x18100] =	vst v63  }
0x40: {  	_ = 	snop  }
0x41: {  	[hbm4b:s3+s2] =	stream.indirect_vreg.scatter [tilespmem:s21], [sflag:$0x1], $0x80, v3, vm0, $0xb8;
	[tilespmem:$0x18100] =	vst v63  }
0x42: {  	_ = 	snop  }
0x43: {  	[hbm4b:s4+s2] =	stream.indirect_vreg.scatter [tilespmem:s22], [sflag:$0x1], $0x80, v3, vm0, $0xb8;
	[tilespmem:$0x18100] =	vst v63  }
0x44: {  	_ = 	snop  }
0x45: {  	[hbm4b:s5+s2] =	stream.indirect_vreg.scatter [tilespmem:s23], [sflag:$0x1], $0x80, v3, vm0, $0xb8;
	[tilespmem:$0x18100] =	vst v63  }
0x46: {  	v3 =	vld [tilespmem:$0x20];
	_ =	sdelay $0x4  }
0x47: {  	v50 =	vshrl.u32 v3, $0x3  }
0x48: {  	v4 =	vmul.u32 $0x30, v50  }
0x49: {  	v3 =	vand.u32 $0x7, v3  }
0x4a: {  	v3 =	vor.u32 v3, v4  }
0x4b: {  	v4 =	vperm.xlane v3, v0;
	_ =	sdelay $0x1  }
0x4c: {  	v4 =	vadd.s32 v1, v4;
	_ =	sdelay $0x3  }
0x4d: {  	v3 =	vperm.xlane v3, v2  }
0x4e: {  	[hbm4b:s3+s2] =	stream.indirect_vreg.scatter [tilespmem:s24], [sflag:$0x1], $0x80, v4, vm0, $0xb8;
	[tilespmem:$0x18100] =	vst v63  }
0x4f: {  	v3 =	vadd.s32 v1, v3  }
0x50: {  	[hbm4b:s4+s2] =	stream.indirect_vreg.scatter [tilespmem:s25], [sflag:$0x1], $0x80, v4, vm0, $0xb8;
	[tilespmem:$0x18100] =	vst v63  }
0x51: {  	_ = 	snop  }
0x52: {  	[hbm4b:s5+s2] =	stream.indirect_vreg.scatter [tilespmem:s26], [sflag:$0x1], $0x80, v4, vm0, $0xb8;
	[tilespmem:$0x18100] =	vst v63  }
0x53: {  	_ = 	snop  }
0x54: {  	[hbm4b:s3+s2] =	stream.indirect_vreg.scatter [tilespmem:s28], [sflag:$0x1], $0x80, v3, vm0, $0xb8;
	[tilespmem:$0x18100] =	vst v63  }
0x55: {  	_ = 	snop  }
0x56: {  	[hbm4b:s4+s2] =	stream.indirect_vreg.scatter [tilespmem:s29], [sflag:$0x1], $0x80, v3, vm0, $0xb8;
	[tilespmem:$0x18100] =	vst v63  }
0x57: {  	_ = 	snop  }
0x58: {  	[hbm4b:s5+s2] =	stream.indirect_vreg.scatter [tilespmem:s30], [sflag:$0x1], $0x80, v3, vm0, $0xb8;
	[tilespmem:$0x18100] =	vst v63  }
0x59: {  	v3 =	vld [tilespmem:$0x30];
	_ =	sdelay $0x4  }
0x5a: {  	v51 =	vshrl.u32 v3, $0x3  }
0x5b: {  	v4 =	vmul.u32 $0x30, v51  }
0x5c: {  	v3 =	vand.u32 $0x7, v3  }
0x5d: {  	v3 =	vor.u32 v3, v4  }
0x5e: {  	v4 =	vperm.xlane v3, v0;
	_ =	sdelay $0x1  }
0x5f: {  	v4 =	vadd.s32 v1, v4;
	_ =	sdelay $0x3  }
0x60: {  	v3 =	vperm.xlane v3, v2  }
0x61: {  	[hbm4b:s3+s2] =	stream.indirect_vreg.scatter [tilespmem:s31], [sflag:$0x1], $0x80, v4, vm0, $0xb8;
	[tilespmem:$0x18100] =	vst v63  }
0x62: {  	s0 =	simm.s32 $0x9900;
	v3 =	vadd.s32 v1, v3  }
0x63: {  	[hbm4b:s4+s2] =	stream.indirect_vreg.scatter [tilespmem:s0], [sflag:$0x1], $0x80, v4, vm0, $0xb8;
	[tilespmem:$0x18100] =	vst v63  }
0x64: {  	s12 =	simm.s32 $0xA100  }
0x65: {  	[hbm4b:s5+s2] =	stream.indirect_vreg.scatter [tilespmem:s12], [sflag:$0x1], $0x80, v4, vm0, $0xb8;
	[tilespmem:$0x18100] =	vst v63  }
0x66: {  	s8 =	simm.s32 $0xA900  }
0x67: {  	[hbm4b:s3+s2] =	stream.indirect_vreg.scatter [tilespmem:s8], [sflag:$0x1], $0x80, v3, vm0, $0xb8;
	[tilespmem:$0x18100] =	vst v63  }
0x68: {  	s1 =	simm.s32 $0xB100  }
0x69: {  	[hbm4b:s4+s2] =	stream.indirect_vreg.scatter [tilespmem:s1], [sflag:$0x1], $0x80, v3, vm0, $0xb8;
	[tilespmem:$0x18100] =	vst v63  }
0x6a: {  	s1 =	simm.s32 $0xB900  }
0x6b: {  	[hbm4b:s5+s2] =	stream.indirect_vreg.scatter [tilespmem:s1], [sflag:$0x1], $0x80, v3, vm0, $0xb8;
	[tilespmem:$0x18100] =	vst v63  }
0x6c: {  	s0 =	simm.s32 $0x80;
	s12 =	rddreg [dreg:$0x5]  }
0x6d: {  	[tilespmem:s0], [sflag:$0x3] =	stream.linear.gather [hbm4b:s12+s2], $0x40, $0x38;
	[tilespmem:$0x18100] =	vst v63  }
0x6e: {  	_ =	swait.ge [sflag:s7], $0x40  }
0x6f: {  	[sflag:s7] =	ssyncset.done $0x0  }
0x70: {  	s0 =	simm.s32 $0xC100;
	s12 =	rddreg [dreg:$0x6];
	[sflag:s7] =	ssyncadd.s32 $0xFFFFFFC0  }
0x71: {  	[tilespmem:s0], [sflag:$0x3] =	stream.linear.gather [hbm4b:s12+s2], $0xC000, $0x38;
	[tilespmem:$0x18100] =	vst v63  }
0x72: {  	_ =	swait.ge [sflag:s7], $0xC000  }
0x73: {  	[sflag:s7] =	ssyncset.done $0x0  }
0x74: {  	[sflag:s7] =	ssyncadd.s32 $0xFFFF4000  }
0x75: {  	v3 =	vld [tilespmem:$0x80];
	_ =	sdelay $0x4  }
0x76: {  	v52 =	vshrl.u32 v3, $0x3  }
0x77: {  	v4 =	vmul.u32 $0x30, v52  }
0x78: {  	v3 =	vand.u32 $0x7, v3  }
0x79: {  	v3 =	vor.u32 v3, v4  }
0x7a: {  	v4 =	vperm.xlane v3, v0;
	_ =	sdelay $0x1  }
0x7b: {  	v4 =	vadd.s32 v1, v4;
	_ =	sdelay $0x3  }
0x7c: {  	v3 =	vperm.xlane v3, v2  }
0x7d: {  	[hbm4b:s3+s2] =	stream.indirect_vreg.scatter [tilespmem:s0], [sflag:$0x2], $0x80, v4, vm0, $0xb8;
	[tilespmem:$0x18100] =	vst v63  }
0x7e: {  	s12 =	simm.s32 $0xC900;
	v3 =	vadd.s32 v1, v3  }
0x7f: {  	[hbm4b:s4+s2] =	stream.indirect_vreg.scatter [tilespmem:s12], [sflag:$0x2], $0x80, v4, vm0, $0xb8;
	[tilespmem:$0x18100] =	vst v63  }
0x80: {  	s12 =	simm.s32 $0xD100  }
0x81: {  	[hbm4b:s5+s2] =	stream.indirect_vreg.scatter [tilespmem:s12], [sflag:$0x2], $0x80, v4, vm0, $0xb8;
	[tilespmem:$0x18100] =	vst v63  }
0x82: {  	s12 =	simm.s32 $0xD900  }
0x83: {  	[hbm4b:s3+s2] =	stream.indirect_vreg.scatter [tilespmem:s12], [sflag:$0x2], $0x80, v3, vm0, $0xb8;
	[tilespmem:$0x18100] =	vst v63  }
0x84: {  	s12 =	simm.s32 $0xE100  }
0x85: {  	[hbm4b:s4+s2] =	stream.indirect_vreg.scatter [tilespmem:s12], [sflag:$0x2], $0x80, v3, vm0, $0xb8;
	[tilespmem:$0x18100] =	vst v63  }
0x86: {  	s12 =	simm.s32 $0xE900  }
0x87: {  	[hbm4b:s5+s2] =	stream.indirect_vreg.scatter [tilespmem:s12], [sflag:$0x2], $0x80, v3, vm0, $0xb8;
	[tilespmem:$0x18100] =	vst v63  }
0x88: {  	v3 =	vld [tilespmem:$0x90];
	_ =	sdelay $0x4  }
0x89: {  	v53 =	vshrl.u32 v3, $0x3  }
0x8a: {  	v4 =	vmul.u32 $0x30, v53  }
0x8b: {  	v3 =	vand.u32 $0x7, v3  }
0x8c: {  	v3 =	vor.u32 v3, v4  }
0x8d: {  	v4 =	vperm.xlane v3, v0;
	_ =	sdelay $0x1  }
0x8e: {  	v4 =	vadd.s32 v1, v4;
	_ =	sdelay $0x3  }
0x8f: {  	s12 =	simm.s32 $0xF100;
	v3 =	vperm.xlane v3, v2  }
0x90: {  	[hbm4b:s3+s2] =	stream.indirect_vreg.scatter [tilespmem:s12], [sflag:$0x2], $0x80, v4, vm0, $0xb8;
	[tilespmem:$0x18100] =	vst v63  }
0x91: {  	v3 =	vadd.s32 v1, v3;
	s12 =	simm.s32 $0xF900  }
0x92: {  	[hbm4b:s4+s2] =	stream.indirect_vreg.scatter [tilespmem:s12], [sflag:$0x2], $0x80, v4, vm0, $0xb8;
	[tilespmem:$0x18100] =	vst v63  }
0x93: {  	s12 =	simm.s32 $0x10100  }
0x94: {  	[hbm4b:s5+s2] =	stream.indirect_vreg.scatter [tilespmem:s12], [sflag:$0x2], $0x80, v4, vm0, $0xb8;
	[tilespmem:$0x18100] =	vst v63  }
0x95: {  	s12 =	simm.s32 $0x10900  }
0x96: {  	[hbm4b:s3+s2] =	stream.indirect_vreg.scatter [tilespmem:s12], [sflag:$0x2], $0x80, v3, vm0, $0xb8;
	[tilespmem:$0x18100] =	vst v63  }
0x97: {  	s12 =	simm.s32 $0x11100  }
0x98: {  	[hbm4b:s4+s2] =	stream.indirect_vreg.scatter [tilespmem:s12], [sflag:$0x2], $0x80, v3, vm0, $0xb8;
	[tilespmem:$0x18100] =	vst v63  }
0x99: {  	s12 =	simm.s32 $0x11900  }
0x9a: {  	[hbm4b:s5+s2] =	stream.indirect_vreg.scatter [tilespmem:s12], [sflag:$0x2], $0x80, v3, vm0, $0xb8;
	[tilespmem:$0x18100] =	vst v63  }
0x9b: {  	v3 =	vld [tilespmem:$0xA0];
	_ =	sdelay $0x4  }
0x9c: {  	v54 =	vshrl.u32 v3, $0x3  }
0x9d: {  	v4 =	vmul.u32 $0x30, v54  }
0x9e: {  	v3 =	vand.u32 $0x7, v3  }
0x9f: {  	v3 =	vor.u32 v3, v4  }
0xa0: {  	v4 =	vperm.xlane v3, v0;
	_ =	sdelay $0x1  }
0xa1: {  	v4 =	vadd.s32 v1, v4;
	_ =	sdelay $0x3  }
0xa2: {  	s12 =	simm.s32 $0x12100;
	v3 =	vperm.xlane v3, v2  }
0xa3: {  	[hbm4b:s3+s2] =	stream.indirect_vreg.scatter [tilespmem:s12], [sflag:$0x2], $0x80, v4, vm0, $0xb8;
	[tilespmem:$0x18100] =	vst v63  }
0xa4: {  	v3 =	vadd.s32 v1, v3;
	s12 =	simm.s32 $0x12900  }
0xa5: {  	[hbm4b:s4+s2] =	stream.indirect_vreg.scatter [tilespmem:s12], [sflag:$0x2], $0x80, v4, vm0, $0xb8;
	[tilespmem:$0x18100] =	vst v63  }
0xa6: {  	s12 =	simm.s32 $0x13100  }
0xa7: {  	[hbm4b:s5+s2] =	stream.indirect_vreg.scatter [tilespmem:s12], [sflag:$0x2], $0x80, v4, vm0, $0xb8;
	[tilespmem:$0x18100] =	vst v63  }
0xa8: {  	s12 =	simm.s32 $0x13900  }
0xa9: {  	[hbm4b:s3+s2] =	stream.indirect_vreg.scatter [tilespmem:s12], [sflag:$0x2], $0x80, v3, vm0, $0xb8;
	[tilespmem:$0x18100] =	vst v63  }
0xaa: {  	s12 =	simm.s32 $0x14100  }
0xab: {  	[hbm4b:s4+s2] =	stream.indirect_vreg.scatter [tilespmem:s12], [sflag:$0x2], $0x80, v3, vm0, $0xb8;
	[tilespmem:$0x18100] =	vst v63  }
0xac: {  	s12 =	simm.s32 $0x14900  }
0xad: {  	[hbm4b:s5+s2] =	stream.indirect_vreg.scatter [tilespmem:s12], [sflag:$0x2], $0x80, v3, vm0, $0xb8;
	[tilespmem:$0x18100] =	vst v63  }
0xae: {  	v3 =	vld [tilespmem:$0xB0];
	_ =	sdelay $0x4  }
0xaf: {  	v55 =	vshrl.u32 v3, $0x3  }
0xb0: {  	v4 =	vmul.u32 $0x30, v55  }
0xb1: {  	v3 =	vand.u32 $0x7, v3  }
0xb2: {  	v3 =	vor.u32 v3, v4  }
0xb3: {  	v4 =	vperm.xlane v3, v0;
	_ =	sdelay $0x1  }
0xb4: {  	v4 =	vadd.s32 v1, v4;
	_ =	sdelay $0x3  }
0xb5: {  	s12 =	simm.s32 $0x15100;
	v3 =	vperm.xlane v3, v2  }
0xb6: {  	[hbm4b:s3+s2] =	stream.indirect_vreg.scatter [tilespmem:s12], [sflag:$0x2], $0x80, v4, vm0, $0xb8;
	[tilespmem:$0x18100] =	vst v63  }
0xb7: {  	v3 =	vadd.s32 v1, v3;
	s12 =	simm.s32 $0x15900  }
0xb8: {  	[hbm4b:s4+s2] =	stream.indirect_vreg.scatter [tilespmem:s12], [sflag:$0x2], $0x80, v4, vm0, $0xb8;
	[tilespmem:$0x18100] =	vst v63  }
0xb9: {  	s12 =	simm.s32 $0x16100  }
0xba: {  	[hbm4b:s5+s2] =	stream.indirect_vreg.scatter [tilespmem:s12], [sflag:$0x2], $0x80, v4, vm0, $0xb8;
	[tilespmem:$0x18100] =	vst v63  }
0xbb: {  	s12 =	simm.s32 $0x16900  }
0xbc: {  	[hbm4b:s3+s2] =	stream.indirect_vreg.scatter [tilespmem:s12], [sflag:$0x2], $0x80, v3, vm0, $0xb8;
	[tilespmem:$0x18100] =	vst v63  }
0xbd: {  	s12 =	simm.s32 $0x17100  }
0xbe: {  	[hbm4b:s4+s2] =	stream.indirect_vreg.scatter [tilespmem:s12], [sflag:$0x2], $0x80, v3, vm0, $0xb8;
	[tilespmem:$0x18100] =	vst v63  }
0xbf: {  	s12 =	simm.s32 $0x17900  }
0xc0: {  	[hbm4b:s5+s2] =	stream.indirect_vreg.scatter [tilespmem:s12], [sflag:$0x2], $0x80, v3, vm0, $0xb8;
	[tilespmem:$0x18100] =	vst v63  }
0xc1: {  	_ =	swait.ge [sflag:s10], $0xC000  }
0xc2: {  	[sflag:s10] =	ssyncset.done $0x0  }
0xc3: {  	s12 =	rddreg [dreg:$0x7];
	[sflag:s10] =	ssyncadd.s32 $0xFFFF4000  }
0xc4: {  	[tilespmem:s2], [sflag:$0x3] =	stream.linear.gather [hbm4b:s12+s2], $0x40, $0x38;
	[tilespmem:$0x18100] =	vst v63  }
0xc5: {  	_ =	swait.ge [sflag:s7], $0x40  }
0xc6: {  	[sflag:s7] =	ssyncset.done $0x0  }
0xc7: {  	s12 =	rddreg [dreg:$0x8];
	[sflag:s7] =	ssyncadd.s32 $0xFFFFFFC0  }
0xc8: {  	[tilespmem:s9], [sflag:$0x3] =	stream.linear.gather [hbm4b:s12+s2], $0xC000, $0x38;
	[tilespmem:$0x18100] =	vst v63  }
0xc9: {  	_ =	swait.ge [sflag:s7], $0xC000  }
0xca: {  	[sflag:s7] =	ssyncset.done $0x0  }
0xcb: {  	[sflag:s7] =	ssyncadd.s32 $0xFFFF4000  }
0xcc: {  	v3 =	vld [tilespmem:$0x0];
	_ =	sdelay $0x4  }
0xcd: {  	v56 =	vshrl.u32 v3, $0x3  }
0xce: {  	v4 =	vmul.u32 $0x30, v56  }
0xcf: {  	v3 =	vand.u32 $0x7, v3  }
0xd0: {  	v3 =	vor.u32 v3, v4  }
0xd1: {  	v4 =	vperm.xlane v3, v0;
	_ =	sdelay $0x1  }
0xd2: {  	v4 =	vadd.s32 v1, v4;
	_ =	sdelay $0x3  }
0xd3: {  	v3 =	vperm.xlane v3, v2  }
0xd4: {  	[hbm4b:s3+s2] =	stream.indirect_vreg.scatter [tilespmem:s9], [sflag:$0x1], $0x80, v4, vm0, $0xb8;
	[tilespmem:$0x18100] =	vst v63  }
0xd5: {  	v3 =	vadd.s32 v1, v3  }
0xd6: {  	[hbm4b:s4+s2] =	stream.indirect_vreg.scatter [tilespmem:s13], [sflag:$0x1], $0x80, v4, vm0, $0xb8;
	[tilespmem:$0x18100] =	vst v63  }
0xd7: {  	_ = 	snop  }
0xd8: {  	[hbm4b:s5+s2] =	stream.indirect_vreg.scatter [tilespmem:s14], [sflag:$0x1], $0x80, v4, vm0, $0xb8;
	[tilespmem:$0x18100] =	vst v63  }
0xd9: {  	_ = 	snop  }
0xda: {  	[hbm4b:s3+s2] =	stream.indirect_vreg.scatter [tilespmem:s15], [sflag:$0x1], $0x80, v3, vm0, $0xb8;
	[tilespmem:$0x18100] =	vst v63  }
0xdb: {  	_ = 	snop  }
0xdc: {  	[hbm4b:s4+s2] =	stream.indirect_vreg.scatter [tilespmem:s16], [sflag:$0x1], $0x80, v3, vm0, $0xb8;
	[tilespmem:$0x18100] =	vst v63  }
0xdd: {  	_ = 	snop  }
0xde: {  	[hbm4b:s5+s2] =	stream.indirect_vreg.scatter [tilespmem:s17], [sflag:$0x1], $0x80, v3, vm0, $0xb8;
	[tilespmem:$0x18100] =	vst v63  }
0xdf: {  	v3 =	vld [tilespmem:$0x10];
	_ =	sdelay $0x4  }
0xe0: {  	v57 =	vshrl.u32 v3, $0x3  }
0xe1: {  	v4 =	vmul.u32 $0x30, v57  }
0xe2: {  	v3 =	vand.u32 $0x7, v3  }
0xe3: {  	v3 =	vor.u32 v3, v4  }
0xe4: {  	v4 =	vperm.xlane v3, v0;
	_ =	sdelay $0x1  }
0xe5: {  	v4 =	vadd.s32 v1, v4;
	_ =	sdelay $0x3  }
0xe6: {  	v3 =	vperm.xlane v3, v2  }
0xe7: {  	[hbm4b:s3+s2] =	stream.indirect_vreg.scatter [tilespmem:s18], [sflag:$0x1], $0x80, v4, vm0, $0xb8;
	[tilespmem:$0x18100] =	vst v63  }
0xe8: {  	v3 =	vadd.s32 v1, v3  }
0xe9: {  	[hbm4b:s4+s2] =	stream.indirect_vreg.scatter [tilespmem:s19], [sflag:$0x1], $0x80, v4, vm0, $0xb8;
	[tilespmem:$0x18100] =	vst v63  }
0xea: {  	_ = 	snop  }
0xeb: {  	[hbm4b:s5+s2] =	stream.indirect_vreg.scatter [tilespmem:s20], [sflag:$0x1], $0x80, v4, vm0, $0xb8;
	[tilespmem:$0x18100] =	vst v63  }
0xec: {  	_ = 	snop  }
0xed: {  	[hbm4b:s3+s2] =	stream.indirect_vreg.scatter [tilespmem:s21], [sflag:$0x1], $0x80, v3, vm0, $0xb8;
	[tilespmem:$0x18100] =	vst v63  }
0xee: {  	_ = 	snop  }
0xef: {  	[hbm4b:s4+s2] =	stream.indirect_vreg.scatter [tilespmem:s22], [sflag:$0x1], $0x80, v3, vm0, $0xb8;
	[tilespmem:$0x18100] =	vst v63  }
0xf0: {  	_ = 	snop  }
0xf1: {  	[hbm4b:s5+s2] =	stream.indirect_vreg.scatter [tilespmem:s23], [sflag:$0x1], $0x80, v3, vm0, $0xb8;
	[tilespmem:$0x18100] =	vst v63  }
0xf2: {  	v3 =	vld [tilespmem:$0x20];
	_ =	sdelay $0x4  }
0xf3: {  	v58 =	vshrl.u32 v3, $0x3  }
0xf4: {  	v4 =	vmul.u32 $0x30, v58  }
0xf5: {  	v3 =	vand.u32 $0x7, v3  }
0xf6: {  	v3 =	vor.u32 v3, v4  }
0xf7: {  	v4 =	vperm.xlane v3, v0;
	_ =	sdelay $0x1  }
0xf8: {  	v4 =	vadd.s32 v1, v4;
	_ =	sdelay $0x3  }
0xf9: {  	v3 =	vperm.xlane v3, v2  }
0xfa: {  	[hbm4b:s3+s2] =	stream.indirect_vreg.scatter [tilespmem:s24], [sflag:$0x1], $0x80, v4, vm0, $0xb8;
	[tilespmem:$0x18100] =	vst v63  }
0xfb: {  	v3 =	vadd.s32 v1, v3  }
0xfc: {  	[hbm4b:s4+s2] =	stream.indirect_vreg.scatter [tilespmem:s25], [sflag:$0x1], $0x80, v4, vm0, $0xb8;
	[tilespmem:$0x18100] =	vst v63  }
0xfd: {  	_ = 	snop  }
0xfe: {  	[hbm4b:s5+s2] =	stream.indirect_vreg.scatter [tilespmem:s26], [sflag:$0x1], $0x80, v4, vm0, $0xb8;
	[tilespmem:$0x18100] =	vst v63  }
0xff: {  	_ = 	snop  }
0x100: {  	[hbm4b:s3+s2] =	stream.indirect_vreg.scatter [tilespmem:s28], [sflag:$0x1], $0x80, v3, vm0, $0xb8;
	[tilespmem:$0x18100] =	vst v63  }
0x101: {  	_ = 	snop  }
0x102: {  	[hbm4b:s4+s2] =	stream.indirect_vreg.scatter [tilespmem:s29], [sflag:$0x1], $0x80, v3, vm0, $0xb8;
	[tilespmem:$0x18100] =	vst v63  }
0x103: {  	_ = 	snop  }
0x104: {  	[hbm4b:s5+s2] =	stream.indirect_vreg.scatter [tilespmem:s30], [sflag:$0x1], $0x80, v3, vm0, $0xb8;
	[tilespmem:$0x18100] =	vst v63  }
0x105: {  	v3 =	vld [tilespmem:$0x30];
	_ =	sdelay $0x4  }
0x106: {  	v59 =	vshrl.u32 v3, $0x3  }
0x107: {  	v4 =	vmul.u32 $0x30, v59  }
0x108: {  	v3 =	vand.u32 $0x7, v3  }
0x109: {  	v3 =	vor.u32 v3, v4  }
0x10a: {  	v4 =	vperm.xlane v3, v0;
	_ =	sdelay $0x1  }
0x10b: {  	v4 =	vadd.s32 v1, v4;
	_ =	sdelay $0x3  }
0x10c: {  	v3 =	vperm.xlane v3, v2  }
0x10d: {  	[hbm4b:s3+s2] =	stream.indirect_vreg.scatter [tilespmem:s31], [sflag:$0x1], $0x80, v4, vm0, $0xb8;
	[tilespmem:$0x18100] =	vst v63  }
0x10e: {  	s12 =	simm.s32 $0x9900;
	v3 =	vadd.s32 v1, v3  }
0x10f: {  	[hbm4b:s4+s2] =	stream.indirect_vreg.scatter [tilespmem:s12], [sflag:$0x1], $0x80, v4, vm0, $0xb8;
	[tilespmem:$0x18100] =	vst v63  }
0x110: {  	s12 =	simm.s32 $0xA100  }
0x111: {  	[hbm4b:s5+s2] =	stream.indirect_vreg.scatter [tilespmem:s12], [sflag:$0x1], $0x80, v4, vm0, $0xb8;
	[tilespmem:$0x18100] =	vst v63  }
0x112: {  	_ = 	snop  }
0x113: {  	[hbm4b:s3+s2] =	stream.indirect_vreg.scatter [tilespmem:s8], [sflag:$0x1], $0x80, v3, vm0, $0xb8;
	[tilespmem:$0x18100] =	vst v63  }
0x114: {  	s12 =	simm.s32 $0xB100  }
0x115: {  	[hbm4b:s4+s2] =	stream.indirect_vreg.scatter [tilespmem:s12], [sflag:$0x1], $0x80, v3, vm0, $0xb8;
	[tilespmem:$0x18100] =	vst v63  }
0x116: {  	_ = 	snop  }
0x117: {  	[hbm4b:s5+s2] =	stream.indirect_vreg.scatter [tilespmem:s1], [sflag:$0x1], $0x80, v3, vm0, $0xb8;
	[tilespmem:$0x18100] =	vst v63  }
0x118: {  	_ =	swait.ge [sflag:s11], $0xC000  }
0x119: {  	[sflag:s11] =	ssyncset.done $0x0  }
0x11a: {  	s9 =	simm.s32 $0x80;
	s8 =	rddreg [dreg:$0x9];
	[sflag:s11] =	ssyncadd.s32 $0xFFFF4000  }
0x11b: {  	[tilespmem:s9], [sflag:$0x3] =	stream.linear.gather [hbm4b:s8+s2], $0x40, $0x38;
	[tilespmem:$0x18100] =	vst v63  }
0x11c: {  	_ =	swait.ge [sflag:s7], $0x40  }
0x11d: {  	[sflag:s7] =	ssyncset.done $0x0  }
0x11e: {  	s1 =	rddreg [dreg:$0xa];
	[sflag:s7] =	ssyncadd.s32 $0xFFFFFFC0  }
0x11f: {  	[tilespmem:s0], [sflag:$0x3] =	stream.linear.gather [hbm4b:s1+s2], $0xC000, $0x38;
	[tilespmem:$0x18100] =	vst v63  }
0x120: {  	_ =	swait.ge [sflag:s7], $0xC000  }
0x121: {  	[sflag:s7] =	ssyncset.done $0x0  }
0x122: {  	[sflag:s7] =	ssyncadd.s32 $0xFFFF4000  }
0x123: {  	v3 =	vld [tilespmem:$0x80];
	_ =	sdelay $0x4  }
0x124: {  	v60 =	vshrl.u32 v3, $0x3  }
0x125: {  	v4 =	vmul.u32 $0x30, v60  }
0x126: {  	v3 =	vand.u32 $0x7, v3  }
0x127: {  	v3 =	vor.u32 v3, v4  }
0x128: {  	v4 =	vperm.xlane v3, v0;
	_ =	sdelay $0x1  }
0x129: {  	v4 =	vadd.s32 v1, v4;
	_ =	sdelay $0x3  }
0x12a: {  	v3 =	vperm.xlane v3, v2  }
0x12b: {  	[hbm4b:s3+s2] =	stream.indirect_vreg.scatter [tilespmem:s0], [sflag:$0x2], $0x80, v4, vm0, $0xb8;
	[tilespmem:$0x18100] =	vst v63  }
0x12c: {  	s8 =	simm.s32 $0xC900;
	v3 =	vadd.s32 v1, v3  }
0x12d: {  	[hbm4b:s4+s2] =	stream.indirect_vreg.scatter [tilespmem:s8], [sflag:$0x2], $0x80, v4, vm0, $0xb8;
	[tilespmem:$0x18100] =	vst v63  }
0x12e: {  	s9 =	simm.s32 $0xD100  }
0x12f: {  	[hbm4b:s5+s2] =	stream.indirect_vreg.scatter [tilespmem:s9], [sflag:$0x2], $0x80, v4, vm0, $0xb8;
	[tilespmem:$0x18100] =	vst v63  }
0x130: {  	s12 =	simm.s32 $0xD900  }
0x131: {  	[hbm4b:s3+s2] =	stream.indirect_vreg.scatter [tilespmem:s12], [sflag:$0x2], $0x80, v3, vm0, $0xb8;
	[tilespmem:$0x18100] =	vst v63  }
0x132: {  	s1 =	simm.s32 $0xE100  }
0x133: {  	[hbm4b:s4+s2] =	stream.indirect_vreg.scatter [tilespmem:s1], [sflag:$0x2], $0x80, v3, vm0, $0xb8;
	[tilespmem:$0x18100] =	vst v63  }
0x134: {  	s8 =	simm.s32 $0xE900  }
0x135: {  	[hbm4b:s5+s2] =	stream.indirect_vreg.scatter [tilespmem:s8], [sflag:$0x2], $0x80, v3, vm0, $0xb8;
	[tilespmem:$0x18100] =	vst v63  }
0x136: {  	v3 =	vld [tilespmem:$0x90];
	_ =	sdelay $0x4  }
0x137: {  	v61 =	vshrl.u32 v3, $0x3  }
0x138: {  	v4 =	vmul.u32 $0x30, v61  }
0x139: {  	v3 =	vand.u32 $0x7, v3  }
0x13a: {  	v3 =	vor.u32 v3, v4  }
0x13b: {  	v4 =	vperm.xlane v3, v0;
	_ =	sdelay $0x1  }
0x13c: {  	v4 =	vadd.s32 v1, v4;
	_ =	sdelay $0x3  }
0x13d: {  	s9 =	simm.s32 $0xF100;
	v3 =	vperm.xlane v3, v2  }
0x13e: {  	[hbm4b:s3+s2] =	stream.indirect_vreg.scatter [tilespmem:s9], [sflag:$0x2], $0x80, v4, vm0, $0xb8;
	[tilespmem:$0x18100] =	vst v63  }
0x13f: {  	s12 =	simm.s32 $0xF900;
	v3 =	vadd.s32 v1, v3  }
0x140: {  	[hbm4b:s4+s2] =	stream.indirect_vreg.scatter [tilespmem:s12], [sflag:$0x2], $0x80, v4, vm0, $0xb8;
	[tilespmem:$0x18100] =	vst v63  }
0x141: {  	s1 =	simm.s32 $0x10100  }
0x142: {  	[hbm4b:s5+s2] =	stream.indirect_vreg.scatter [tilespmem:s1], [sflag:$0x2], $0x80, v4, vm0, $0xb8;
	[tilespmem:$0x18100] =	vst v63  }
0x143: {  	s8 =	simm.s32 $0x10900  }
0x144: {  	[hbm4b:s3+s2] =	stream.indirect_vreg.scatter [tilespmem:s8], [sflag:$0x2], $0x80, v3, vm0, $0xb8;
	[tilespmem:$0x18100] =	vst v63  }
0x145: {  	s9 =	simm.s32 $0x11100  }
0x146: {  	[hbm4b:s4+s2] =	stream.indirect_vreg.scatter [tilespmem:s9], [sflag:$0x2], $0x80, v3, vm0, $0xb8;
	[tilespmem:$0x18100] =	vst v63  }
0x147: {  	s12 =	simm.s32 $0x11900  }
0x148: {  	[hbm4b:s5+s2] =	stream.indirect_vreg.scatter [tilespmem:s12], [sflag:$0x2], $0x80, v3, vm0, $0xb8;
	[tilespmem:$0x18100] =	vst v63  }
0x149: {  	v3 =	vld [tilespmem:$0xA0];
	_ =	sdelay $0x4  }
0x14a: {  	v62 =	vshrl.u32 v3, $0x3  }
0x14b: {  	v4 =	vmul.u32 $0x30, v62  }
0x14c: {  	v3 =	vand.u32 $0x7, v3  }
0x14d: {  	v3 =	vor.u32 v3, v4  }
0x14e: {  	v4 =	vperm.xlane v3, v0;
	_ =	sdelay $0x1  }
0x14f: {  	v4 =	vadd.s32 v1, v4;
	_ =	sdelay $0x3  }
0x150: {  	s1 =	simm.s32 $0x12100;
	v3 =	vperm.xlane v3, v2  }
0x151: {  	[hbm4b:s3+s2] =	stream.indirect_vreg.scatter [tilespmem:s1], [sflag:$0x2], $0x80, v4, vm0, $0xb8;
	[tilespmem:$0x18100] =	vst v63  }
0x152: {  	s8 =	simm.s32 $0x12900;
	v3 =	vadd.s32 v1, v3  }
0x153: {  	[hbm4b:s4+s2] =	stream.indirect_vreg.scatter [tilespmem:s8], [sflag:$0x2], $0x80, v4, vm0, $0xb8;
	[tilespmem:$0x18100] =	vst v63  }
0x154: {  	s9 =	simm.s32 $0x13100  }
0x155: {  	[hbm4b:s5+s2] =	stream.indirect_vreg.scatter [tilespmem:s9], [sflag:$0x2], $0x80, v4, vm0, $0xb8;
	[tilespmem:$0x18100] =	vst v63  }
0x156: {  	s12 =	simm.s32 $0x13900  }
0x157: {  	[hbm4b:s3+s2] =	stream.indirect_vreg.scatter [tilespmem:s12], [sflag:$0x2], $0x80, v3, vm0, $0xb8;
	[tilespmem:$0x18100] =	vst v63  }
0x158: {  	s1 =	simm.s32 $0x14100  }
0x159: {  	[hbm4b:s4+s2] =	stream.indirect_vreg.scatter [tilespmem:s1], [sflag:$0x2], $0x80, v3, vm0, $0xb8;
	[tilespmem:$0x18100] =	vst v63  }
0x15a: {  	s8 =	simm.s32 $0x14900  }
0x15b: {  	[hbm4b:s5+s2] =	stream.indirect_vreg.scatter [tilespmem:s8], [sflag:$0x2], $0x80, v3, vm0, $0xb8;
	[tilespmem:$0x18100] =	vst v63  }
0x15c: {  	v3 =	vld [tilespmem:$0xB0];
	_ =	sdelay $0x4  }
0x15d: {  	v63 =	vshrl.u32 v3, $0x3  }
0x15e: {  	v4 =	vmul.u32 $0x30, v63  }
0x15f: {  	v3 =	vand.u32 $0x7, v3  }
0x160: {  	v3 =	vor.u32 v3, v4  }
0x161: {  	v4 =	vperm.xlane v3, v0;
	_ =	sdelay $0x1  }
0x162: {  	v4 =	vadd.s32 v1, v4;
	_ =	sdelay $0x3  }
0x163: {  	s9 =	simm.s32 $0x15100;
	v3 =	vperm.xlane v3, v2  }
0x164: {  	[hbm4b:s3+s2] =	stream.indirect_vreg.scatter [tilespmem:s9], [sflag:$0x2], $0x80, v4, vm0, $0xb8;
	[tilespmem:$0x18100] =	vst v63  }
0x165: {  	s12 =	simm.s32 $0x15900;
	v3 =	vadd.s32 v1, v3  }
0x166: {  	[hbm4b:s4+s2] =	stream.indirect_vreg.scatter [tilespmem:s12], [sflag:$0x2], $0x80, v4, vm0, $0xb8;
	[tilespmem:$0x18100] =	vst v63  }
0x167: {  	s1 =	simm.s32 $0x16100  }
0x168: {  	[hbm4b:s5+s2] =	stream.indirect_vreg.scatter [tilespmem:s1], [sflag:$0x2], $0x80, v4, vm0, $0xb8;
	[tilespmem:$0x18100] =	vst v63  }
0x169: {  	s8 =	simm.s32 $0x16900  }
0x16a: {  	[hbm4b:s3+s2] =	stream.indirect_vreg.scatter [tilespmem:s8], [sflag:$0x2], $0x80, v3, vm0, $0xb8;
	[tilespmem:$0x18100] =	vst v63  }
0x16b: {  	s9 =	simm.s32 $0x17100  }
0x16c: {  	[hbm4b:s4+s2] =	stream.indirect_vreg.scatter [tilespmem:s9], [sflag:$0x2], $0x80, v3, vm0, $0xb8;
	[tilespmem:$0x18100] =	vst v63  }
0x16d: {  	s12 =	simm.s32 $0x17900  }
0x16e: {  	[hbm4b:s5+s2] =	stream.indirect_vreg.scatter [tilespmem:s12], [sflag:$0x2], $0x80, v3, vm0, $0xb8;
	[tilespmem:$0x18100] =	vst v63  }
0x16f: {  	p0 =	sne.s32 s6, $0x1;
	_ =	swait.ge [sflag:s10], $0xC000  }
.Ltmp0:
0x170: {  	[sflag:s10] =	ssyncset.done $0x0;
	(pc) =	sbr.rel @p0 .LBB2_1-.Ltmp0, $4  }
0x171: {  	[sflag:s10] =	ssyncadd.s32 $0xFFFF4000  }
0x172: {  	_ =	swait.ge [sflag:s11], $0xC000  }
0x173: {  	[sflag:s11] =	ssyncset.done $0x0  }
0x174: {  	s6 =	sadd.s32 $0xFFFFFFFF, s6;
	[sflag:s11] =	ssyncadd.s32 $0xFFFF4000  }
0x175: {  	_ =	sfence.sel $0x180000  }
0x176: {  	[bflag:$0x0] =	sbarrier.arrive $0xFFFF  }
0x177: {  	_ =	strace $0x90000047  }
0x178: {  	s0 =	stileid.u32;
	[bflag:$0x2] =	sbarrier.arrive $0xFFFF  }
0x179: {  	p0 =	sne.s32 s0, $0x0;
	s0 =	rddreg [dreg:$0x2]  }
0x17a: {  	s0 =	sadd.s32 @!p0 $0x100000, s0  }
0x17b: {  	[sflag:s0] =	ssyncadd.tile.s32 @!p0 $0x1;
	_ =	shalt  }
.Lfunc_end2:
_tile_overlayer_lowered:
.L_overlay_start_2:
0x17c: {  	(tag) =	ssettag $0x2  }
0x17d: {  	s0 =	rddreg [dreg:$0x0];
	s2 =	stileid.u32  }
0x17e: {  	s1 =	rddreg [dreg:$0x1];
	p0 =	sne.s32 s2, $0x0  }
0x17f: {  	s3 =	rddreg [dreg:$0x2];
	[bflag:$0x3] =	sbarrier.arrive $0xFFFF;
	s2 =	simm.s32 @!p0 $0x1C03  }
0x180: {  	[timem:s3], [sflag:s2] =	dma.local @!p0 [hbm:s0], s1  }
0x181: {  	s0 =	simm.s32 @!p0 $0x3  }
0x182: {  	_ =	swait.ge @!p0 [sflag:s0], s1  }
0x183: {  	s1 =	ssub.s32 @!p0 $0x0, s1;
	[sflag:s0] =	ssyncset.done @!p0 $0x0  }
0x184: {  	[sflag:s0] =	ssyncadd.s32 @!p0 s1  }
0x185: {  	[bflag:$0x3] =	sbarrier.arrive $0xFFFF  }
0x186: {  	_ =	shalt  }

// kernel: kernel.9.cloned.1.call-start
scs
__scs_entry_jumppad:
0x0: {  	(pc) =	sbr.rel $0x88, $3  }
0x1: {  	(tag) =	ssettag $0x0;
	lr =	simm.s32 $0x1  }
0x2: {  	[smem:$0x3F9B] =	sst lr;
	_ =	strace $0xD0000000  }
0x3: {  	_ = 	snop  }
0x4: {  	_ = 	snop  }
0x5: {  	_ = 	snop  }
0x6: {  	_ = 	snop  }
0x7: {  	_ = 	snop  }
__scs_overlays_trampoline_lowered:
0x8: {  	[smem:$0x3FAA] =	sst s0  }
0x9: {  	[smem:$0x3FAB] =	sst s1  }
0xa: {  	[smem:$0x3FAC] =	sst s2  }
0xb: {  	[smem:$0x3FAD] =	sst s3  }
0xc: {  	[smem:$0x3FAE] =	sst s4  }
0xd: {  	[smem:$0x3FAF] =	sst s5  }
0xe: {  	[smem:$0x3FB0] =	sst s6  }
0xf: {  	[smem:$0x3FB1] =	sst s7  }
0x10: {  	[smem:$0x3FB2] =	sst s8  }
0x11: {  	[smem:$0x3FB3] =	sst s9;
	s0 =	simm.s32 @!p0 $0x0  }
0x12: {  	s1 =	sld [smem:$0x3F99];
	s0 =	simm.s32 @p0 $0x1  }
0x13: {  	[smem:$0x3FB4] =	sst s0;
	s0 =	simm.s32 @!p1 $0x0  }
0x14: {  	s2 =	sld [smem:$0x3F98];
	s0 =	simm.s32 @p1 $0x1  }
0x15: {  	[smem:$0x3FB5] =	sst s0;
	s0 =	simm.s32 @!p2 $0x0  }
0x16: {  	s3 =	sld [smem:$0x3FDB];
	s0 =	simm.s32 @p2 $0x1  }
0x17: {  	s4 =	simm.s32 $0x1BF5;
	[smem:$0x3FB7] =	sst s0  }
0x18: {  	s0 =	sld [smem:$0x3F9A];
	_ =	swait.ge [sflag:s4], $0x0  }
0x19: {  	s7 =	sld [smem:$0x3F9B]  }
0x1a: {  	s8 =	sadd.s32 $0xFFFFE003, lr  }
0x1b: {  	s9 =	sadd.s32 $0xFFFFFEF7, lr;
	s5 =	simm.s32 $0xFFFFFFFF;
	p2 =	slt.u32 s8, $0xFFFFF086  }
0x1c: {  	p1 =	slt.u32 s9, $0xF7A;
	s5 =	simm.s32 @!p2 $0x0  }
0x1d: {  	s5 =	simm.s32 @p1 $0x1;
	p0 =	seq.s32 s7, s2  }
0x1e: {  	s7 =	smul.u32 @!p0 $0xF7A, s2;
	p2 =	seq.s32 @!p0 s5, $0x0  }
0x1f: {  	s9 =	smul.u32 $0xF7A, s1;
	s8 =	simm.s32 @!p0 $0x1BF5;
	p2 =	por !p2, p0  }
0x20: {  	[sflag:s8] =	ssyncset.s32 @!p0 $0xFFFFF086;
	s6 =	sadd.s32 @!p0 s3, s7;
	s7 =	simm.s32 @!p0 $0x108  }
0x21: {  	s3 =	sadd.s32 s3, s9;
	s6 =	sadd.s32 @!p0 $0x88, s6;
	s7 =	simm.s32 @p2 $0x1082  }
0x22: {  	[simem:s7], [sflag:s8] =	dma.local @!p0 [hbm:s6], $0xF7A  }
0x23: {  	s9 =	sor.u32 $0xD0000000, s2;
	s6 =	simm.s32 $0x108;
	_ =	swait.ge @!p0 [sflag:s8], $0x0  }
0x24: {  	s3 =	sadd.s32 $0x88, s3;
	s6 =	simm.s32 @!p1 $0x1082;
	[sflag:s4] =	ssyncset.s32 $0xFFFFF086  }
0x25: {  	[simem:s6], [sflag:s4] =	dma.local [hbm:s3], $0xF7A  }
0x26: {  	[smem:$0x3F9B] =	sst s1;
	(tag) =	ssettag s2;
	_ =	strace s9  }
0x27: {  	s1 =	sld [smem:$0x3FAB]  }
0x28: {  	s2 =	sld [smem:$0x3FAC]  }
0x29: {  	s4 =	sld [smem:$0x3FAE]  }
0x2a: {  	p0 =	seq.s32 s5, $0x0;
	s5 =	sld [smem:$0x3FAF]  }
0x2b: {  	s6 =	sld [smem:$0x3FB0]  }
0x2c: {  	s7 =	sld [smem:$0x3FB1]  }
0x2d: {  	s3 =	simm.s32 $0x108;
	s8 =	sld [smem:$0x3FB2]  }
0x2e: {  	s3 =	simm.s32 @!p0 $0x1082;
	s9 =	sld [smem:$0x3FB3]  }
0x2f: {  	lr =	sadd.s32 s0, s3;
	s0 =	sld [smem:$0x3FAA]  }
0x30: {  	s3 =	sld [smem:$0x3FAD]  }
0x31: {  	[smem:$0x3FB6] =	sst s10  }
0x32: {  	s10 =	sld [smem:$0x3FB4];
	_ =	sdelay $0x3  }
0x33: {  	p0 =	seq.s32 s10, $0x1;
	s10 =	sld [smem:$0x3FB6];
	_ =	sdelay $0x3  }
0x34: {  	[smem:$0x3FB6] =	sst s10  }
0x35: {  	s10 =	sld [smem:$0x3FB5];
	_ =	sdelay $0x3  }
0x36: {  	p1 =	seq.s32 s10, $0x1;
	s10 =	sld [smem:$0x3FB6];
	_ =	sdelay $0x3  }
0x37: {  	[smem:$0x3FB6] =	sst s10  }
0x38: {  	s10 =	sld [smem:$0x3FB7]  }
0x39: {  	_ = 	snop;
	(pc) =	sbr.ind lr, $3  }
0x3a: {  	_ = 	snop  }
0x3b: {  	_ = 	snop  }
0x3c: {  	p2 =	seq.s32 s10, $0x1;
	s10 =	sld [smem:$0x3FB6]  }
0x3d: {  	_ =	shalt  }
0x3e: {  	_ =	shalt  }
0x3f: {  	_ =	shalt  }
0x40: {  	_ =	shalt  }
0x41: {  	_ =	shalt  }
0x42: {  	_ =	shalt  }
0x43: {  	_ =	shalt  }
0x44: {  	_ =	shalt  }
0x45: {  	_ =	shalt  }
0x46: {  	_ =	shalt  }
0x47: {  	_ =	shalt  }
0x48: {  	_ =	shalt  }
0x49: {  	_ =	shalt  }
0x4a: {  	_ =	shalt  }
0x4b: {  	_ =	shalt  }
0x4c: {  	_ =	shalt  }
0x4d: {  	_ =	shalt  }
0x4e: {  	_ =	shalt  }
0x4f: {  	_ =	shalt  }
0x50: {  	_ =	shalt  }
0x51: {  	_ =	shalt  }
0x52: {  	_ =	shalt  }
0x53: {  	_ =	shalt  }
0x54: {  	_ =	shalt  }
0x55: {  	_ =	shalt  }
0x56: {  	_ =	shalt  }
0x57: {  	_ =	shalt  }
0x58: {  	_ =	shalt  }
0x59: {  	_ =	shalt  }
0x5a: {  	_ =	shalt  }
0x5b: {  	_ =	shalt  }
0x5c: {  	_ =	shalt  }
0x5d: {  	_ =	shalt  }
0x5e: {  	_ =	shalt  }
0x5f: {  	_ =	shalt  }
0x60: {  	_ =	shalt  }
0x61: {  	_ =	shalt  }
0x62: {  	_ =	shalt  }
0x63: {  	_ =	shalt  }
0x64: {  	_ =	shalt  }
0x65: {  	_ =	shalt  }
0x66: {  	_ =	shalt  }
0x67: {  	_ =	shalt  }
0x68: {  	_ =	shalt  }
0x69: {  	_ =	shalt  }
0x6a: {  	_ =	shalt  }
0x6b: {  	_ =	shalt  }
0x6c: {  	_ =	shalt  }
0x6d: {  	_ =	shalt  }
0x6e: {  	_ =	shalt  }
0x6f: {  	_ =	shalt  }
0x70: {  	_ =	shalt  }
0x71: {  	_ =	shalt  }
0x72: {  	_ =	shalt  }
0x73: {  	_ =	shalt  }
0x74: {  	_ =	shalt  }
0x75: {  	_ =	shalt  }
0x76: {  	_ =	shalt  }
0x77: {  	_ =	shalt  }
0x78: {  	_ =	shalt  }
0x79: {  	_ =	shalt  }
0x7a: {  	_ =	shalt  }
0x7b: {  	_ =	shalt  }
0x7c: {  	_ =	shalt  }
0x7d: {  	_ =	shalt  }
0x7e: {  	_ =	shalt  }
0x7f: {  	_ =	shalt  }
0x80: {  	_ =	shalt  }
0x81: {  	_ =	shalt  }
0x82: {  	_ =	shalt  }
0x83: {  	_ =	shalt  }
0x84: {  	_ =	shalt  }
0x85: {  	_ =	shalt  }
0x86: {  	_ =	shalt  }
0x87: {  	_ =	shalt  }
.Lfunc_end0:
.L_simem_size_0:
called_computation.1_lowered:
.L_overlay_start_0:
0x88: {  	s2 =	sld [smem:$0x3FD9]  }
0x89: {  	s3 =	sld [smem:$0x3FFE];
	_ =	sdelay $0x1  }
0x8a: {  	s1 =	srdreg.scid  }
0x8b: {  	s0 =	sand.u32 $0x1, s1  }
0x8c: {  	s17 =	sshll.u32 s0, $0xA;
	s2 =	sadd.s32 s3, s2  }
0x8d: {  	s2 =	sadd.s32 s2, s17  }
0x8e: {  	[smem:$0x3FC2] =	sst s2  }
0x8f: {  	_ = 	snop  }
0x90: {  	s2 =	sld [smem:$0x3FD0];
	(tm) =	ssettm $0x1  }
0x91: {  	s18 =	sld [smem:$0x3FFB];
	_ =	sdelay $0x3  }
0x92: {  	_ =	strace s18  }
0x93: {  	s3 =	sld [smem:$0x3FFC];
	_ =	sdelay $0x3  }
0x94: {  	_ =	strace s3  }
0x95: {  	s3 =	sld [smem:$0x3FFD];
	_ =	sdelay $0x3  }
0x96: {  	_ =	strace s3  }
0x97: {  	_ =	strace $0x8FFFFFFF  }
0x98: {  	s19 =	sld [smem:$0x3FDB];
	_ =	sdelay $0x1  }
0x99: {  	s4 =	simm.s32 $_scs_section_size  }
0x9a: {  	s5 =	simm.s32 $_size__tile_overlayer_lowered;
	s6 =	simm.s32 $_tile_overlayer_lowered  }
0x9b: {  	s22 =	simm.s32 $0x1BFF;
	s21 =	sshll.u32 s6, $0x1;
	s3 =	sadd.s32 s4, s19  }
0x9c: {  	s7 =	simm.s32 $0x0;
	s20 =	sshll.u32 s5, $0x1;
	s5 =	sadd.s32 s21, s3  }
0x9d: {  	[timem:s7], [sflag:s22] =	dma.local [hbm:s5], s20  }
0x9e: {  	_ =	swait.ge [sflag:s22], s20  }
0x9f: {  	s4 =	ssub.s32 $0x0, s20;
	[sflag:s22] =	ssyncset.done $0x0  }
0xa0: {  	[sflag:s22] =	ssyncadd.s32 s4;
	_ =	sdelay $0x1  }
0xa1: {  	s23 =	simm.s32 $0x1B8B  }
0xa2: {  	_ =	swait.ge [sflag:s23], $0x1  }
0xa3: {  	[sflag:s23] =	ssyncset.done $0x0  }
0xa4: {  	s25 =	simm.s32 $0x1B8E;
	s24 =	sld [smem:$0x3FFE];
	[sflag:s23] =	ssyncadd.s32 $0xFFFFFFFF  }
0xa5: {  	s26 =	simm.s32 $execute0_lowered;
	[smem:$0x3FD2] =	sst s25  }
0xa6: {  	s5 =	sshll.u32 s26, $0x1;
	_ =	strace $0x80000049;
	[dreg:$0x1] =	wrdreg $0xFFFFFFFF  }
0xa7: {  	s28 =	simm.s32 $_size_execute0_lowered;
	s3 =	sadd.s32 s3, s5;
	[dreg:$0x0] =	wrdreg $0x0  }
0xa8: {  	s5 =	sshll.u32 s28, $0x1;
	[dreg:$0x2] =	wrdreg s3  }
0xa9: {  	[dreg:$0x3] =	wrdreg s5  }
0xaa: {  	[dreg:$0x4] =	wrdreg $0xC0  }
0xab: {  	_ =	task [dreg:s7], $0x5FFFF  }
0xac: {  	[dreg:$0x1] =	wrdreg $0xFFFFFFFF  }
0xad: {  	[dreg:$0x0] =	wrdreg $0x60  }
0xae: {  	[dreg:$0x2] =	wrdreg s24  }
0xaf: {  	[dreg:$0x3] =	wrdreg s2  }
0xb0: {  	[dreg:$0x4] =	wrdreg $0x9  }
0xb1: {  	_ =	task.clear_ibuf [dreg:s7], $0x5FFFF;
	_ =	strace $0x90000049  }
0xb2: {  	s29 =	simm.s32 $0x9;
	_ =	strace $0x8000004B  }
0xb3: {  	_ =	swait.ge [sflag:s29], $0x1  }
0xb4: {  	[sflag:s29] =	ssyncadd.s32 $0xFFFFFFFF  }
0xb5: {  	_ =	strace $0x9000004B  }
0xb6: {  	_ =	sfence  }
0xb7: {  	s30 =	sld [smem:$0x0];
	_ =	sdelay $0x2  }
0xb8: {  	s31 =	sshll.u32 s1, $0xD;
	s1 =	sshrl.u32 s1, $0x2  }
0xb9: {  	s3 =	sand.u32 $0x4000, s31;
	s1 =	sadd.s32 s1, s30  }
0xba: {  	s0 =	sor.u32 s3, s0;
	s1 =	sshll.u32 s1, $0x11  }
0xbb: {  	s0 =	sor.u32 s1, s0  }
0xbc: {  	s0 =	sadd.s32 $0x8F2B, s0  }
0xbd: {  	[sflag:s0] =	ssyncadd.remote.s32 $0x1  }
0xbe: {  	_ =	sfence.sel $0xFFFF  }
0xbf: {  	[dreg:$0x0] =	wrdreg $0xFFFFFFFF;
	(pc) =	sbr.abs _section_cstart, $3  }
0xc0: {  	[dreg:$0x1] =	wrdreg $0xFFFFFFFF  }
0xc1: {  	_ =	task.clear_ibuf [dreg:s7], $0x2FFFF;
	_ =	strace $0x9FFFFFFF  }
0xc2: {  	(tm) =	ssettm $0x7FFFFFFF  }
0xc3: {  	_ =	shalt  }
tec
execute0_lowered:
.L_overlay_start_1:
0x0: {  	(tag) =	ssettag $0x1  }
0x1: {  	s0 =	rddreg [dreg:$0x0]  }
0x2: {  	s1 =	rddreg [dreg:$0x1];
	s3 =	srdreg.scid;
	s2 =	simm.s32 $0x0  }
0x3: {  	s4 =	stileid.u32;
	s12 =	simm.s32 $0x2;
	s13 =	simm.s32 $0x4  }
0x4: {  	s15 =	simm.s32 $0x900;
	s16 =	simm.s32 $0x1100;
	s17 =	simm.s32 $0x1900  }
0x5: {  	s18 =	simm.s32 $0x2100;
	s19 =	simm.s32 $0x2900;
	s20 =	simm.s32 $0x3100  }
0x6: {  	s28 =	simm.s32 $0x6900;
	s29 =	simm.s32 $0x7100;
	s30 =	simm.s32 $0x7900  }
0x7: {  	s31 =	simm.s32 $0x8100;
	s11 =	simm.s32 $0x1;
	s3 =	sand.u32 $0x1, s3  }
0x8: {  	[smem:$0x7FF] =	sst s2;
	s4 =	sshll.u32 s4, $0x6;
	s6 =	sadd.s32 $0x1C00, s0  }
0x9: {  	s5 =	sshll.u32 s3, $0x5;
	_ =	strace $0x8000004A;
	s9 =	ssub.s32 $0x2, s3  }
0xa: {  	s3 =	sadd.s32 $0x144800, s0;
	s4 =	sor.u32 s5, s4;
	s10 =	sshrl.u32 s9, $0x1  }
0xb: {  	s5 =	sadd.s32 s6, s4;
	s7 =	sor.u32 $0x8, s4;
	s8 =	smul.u32 $0x300, s4  }
0xc: {  	s23 =	sor.u32 $0x10, s4;
	s4 =	sor.u32 $0x18, s4;
	s26 =	ssub.s32 s9, s10  }
0xd: {  	s9 =	simm.s32 $0x3;
	s10 =	simm.s32 $0xA900;
	[dreg:$0x3] =	wrdreg s5  }
0xe: {  	s21 =	sadd.s32 s6, s7;
	s24 =	sadd.s32 s6, s23;
	s7 =	smul.u32 $0x300, s7  }
0xf: {  	s5 =	smul.u32 $0x300, s23;
	s6 =	sadd.s32 s6, s4;
	[dreg:$0x4] =	wrdreg s21  }
0x10: {  	s25 =	smul.u32 $0x300, s4;
	s4 =	sadd.s32 $0x144900, s0;
	[dreg:$0x6] =	wrdreg s24  }
0x11: {  	s23 =	simm.s32 $0x4900;
	s22 =	sadd.s32 s1, s8;
	[dreg:$0x8] =	wrdreg s6  }
0x12: {  	s6 =	smax.u32 s26, $0x1;
	s21 =	simm.s32 $0x3900;
	s24 =	simm.s32 $0x5100  }
0x13: {  	s26 =	simm.s32 $0x6100;
	[dreg:$0x5] =	wrdreg s22;
	s7 =	sadd.s32 s1, s7  }
0x14: {  	v2 =	vlaneseq.u32;
	s5 =	sadd.s32 s1, s5;
	s1 =	sadd.s32 s1, s25;
	[dreg:$0x7] =	wrdreg s7  }
0x15: {  	vm0 =	vmmov $0xffff;
	v1 =	vshrl.u32 v2, $0x3;
	s22 =	simm.s32 $0x4100;
	s25 =	simm.s32 $0x5900;
	[dreg:$0x9] =	wrdreg s5  }
0x16: {  	v0 =	vand.u32 $0x7, v2;
	v2 =	vor.u32 $0x8, v2;
	v1 =	vmul.u32 $0x8, v1;
	s5 =	sadd.s32 $0x144A00, s0;
	[dreg:$0xa] =	wrdreg s1;
	s7 =	simm.s32 $0x5  }
.LBB2_1:
0x17: {  	s14 =	rddreg [dreg:$0x3]  }
0x18: {  	[tilespmem:s2], [sflag:$0x5] =	stream.linear.gather [hbm4b:s14+s2], $0x40, $0x38;
	[tilespmem:$0x18100] =	vst v63  }
0x19: {  	_ =	swait.ge [sflag:s7], $0x40  }
0x1a: {  	[sflag:s7] =	ssyncset.done $0x0  }
0x1b: {  	[sflag:s7] =	ssyncadd.s32 $0xFFFFFFC0  }
0x1c: {  	v3 =	vld [tilespmem:$0x0];
	_ =	sdelay $0x4  }
0x1d: {  	v4 =	vshrl.u32 v3, $0x3  }
0x1e: {  	v4 =	vmul.u32 $0x30, v4  }
0x1f: {  	v3 =	vand.u32 $0x7, v3  }
0x20: {  	v3 =	vor.u32 v3, v4  }
0x21: {  	v4 =	vperm.xlane v3, v0;
	_ =	sdelay $0x1  }
0x22: {  	v4 =	vadd.s32 v1, v4;
	_ =	sdelay $0x3  }
0x23: {  	s0 =	simm.s32 $0x100;
	v3 =	vperm.xlane v3, v2  }
0x24: {  	[tilespmem:s0], [sflag:$0x1] =	stream.indirect_vreg.gather [hbm4b:s3+s2], $0x80, v4, vm0, $0xb8;
	[tilespmem:$0x18100] =	vst v63  }
0x25: {  	v3 =	vadd.s32 v1, v3  }
0x26: {  	[tilespmem:s15], [sflag:$0x1] =	stream.indirect_vreg.gather [hbm4b:s4+s2], $0x80, v4, vm0, $0xb8;
	[tilespmem:$0x18100] =	vst v63  }
0x27: {  	_ = 	snop  }
0x28: {  	[tilespmem:s16], [sflag:$0x1] =	stream.indirect_vreg.gather [hbm4b:s5+s2], $0x80, v4, vm0, $0xb8;
	[tilespmem:$0x18100] =	vst v63  }
0x29: {  	_ = 	snop  }
0x2a: {  	[tilespmem:s17], [sflag:$0x1] =	stream.indirect_vreg.gather [hbm4b:s3+s2], $0x80, v3, vm0, $0xb8;
	[tilespmem:$0x18100] =	vst v63  }
0x2b: {  	_ = 	snop  }
0x2c: {  	[tilespmem:s18], [sflag:$0x1] =	stream.indirect_vreg.gather [hbm4b:s4+s2], $0x80, v3, vm0, $0xb8;
	[tilespmem:$0x18100] =	vst v63  }
0x2d: {  	_ = 	snop  }
0x2e: {  	[tilespmem:s19], [sflag:$0x1] =	stream.indirect_vreg.gather [hbm4b:s5+s2], $0x80, v3, vm0, $0xb8;
	[tilespmem:$0x18100] =	vst v63  }
0x2f: {  	v3 =	vld [tilespmem:$0x10];
	_ =	sdelay $0x4  }
0x30: {  	v49 =	vshrl.u32 v3, $0x3  }
0x31: {  	v4 =	vmul.u32 $0x30, v49  }
0x32: {  	v3 =	vand.u32 $0x7, v3  }
0x33: {  	v3 =	vor.u32 v3, v4  }
0x34: {  	v4 =	vperm.xlane v3, v0;
	_ =	sdelay $0x1  }
0x35: {  	v4 =	vadd.s32 v1, v4;
	_ =	sdelay $0x3  }
0x36: {  	v3 =	vperm.xlane v3, v2  }
0x37: {  	[tilespmem:s20], [sflag:$0x1] =	stream.indirect_vreg.gather [hbm4b:s3+s2], $0x80, v4, vm0, $0xb8;
	[tilespmem:$0x18100] =	vst v63  }
0x38: {  	v3 =	vadd.s32 v1, v3  }
0x39: {  	[tilespmem:s21], [sflag:$0x1] =	stream.indirect_vreg.gather [hbm4b:s4+s2], $0x80, v4, vm0, $0xb8;
	[tilespmem:$0x18100] =	vst v63  }
0x3a: {  	_ = 	snop  }
0x3b: {  	[tilespmem:s22], [sflag:$0x1] =	stream.indirect_vreg.gather [hbm4b:s5+s2], $0x80, v4, vm0, $0xb8;
	[tilespmem:$0x18100] =	vst v63  }
0x3c: {  	_ = 	snop  }
0x3d: {  	[tilespmem:s23], [sflag:$0x1] =	stream.indirect_vreg.gather [hbm4b:s3+s2], $0x80, v3, vm0, $0xb8;
	[tilespmem:$0x18100] =	vst v63  }
0x3e: {  	_ = 	snop  }
0x3f: {  	[tilespmem:s24], [sflag:$0x1] =	stream.indirect_vreg.gather [hbm4b:s4+s2], $0x80, v3, vm0, $0xb8;
	[tilespmem:$0x18100] =	vst v63  }
0x40: {  	_ = 	snop  }
0x41: {  	[tilespmem:s25], [sflag:$0x1] =	stream.indirect_vreg.gather [hbm4b:s5+s2], $0x80, v3, vm0, $0xb8;
	[tilespmem:$0x18100] =	vst v63  }
0x42: {  	v3 =	vld [tilespmem:$0x20];
	_ =	sdelay $0x4  }
0x43: {  	v50 =	vshrl.u32 v3, $0x3  }
0x44: {  	v4 =	vmul.u32 $0x30, v50  }
0x45: {  	v3 =	vand.u32 $0x7, v3  }
0x46: {  	v3 =	vor.u32 v3, v4  }
0x47: {  	v4 =	vperm.xlane v3, v0;
	_ =	sdelay $0x1  }
0x48: {  	v4 =	vadd.s32 v1, v4;
	_ =	sdelay $0x3  }
0x49: {  	v3 =	vperm.xlane v3, v2  }
0x4a: {  	[tilespmem:s26], [sflag:$0x1] =	stream.indirect_vreg.gather [hbm4b:s3+s2], $0x80, v4, vm0, $0xb8;
	[tilespmem:$0x18100] =	vst v63  }
0x4b: {  	v3 =	vadd.s32 v1, v3  }
0x4c: {  	[tilespmem:s28], [sflag:$0x1] =	stream.indirect_vreg.gather [hbm4b:s4+s2], $0x80, v4, vm0, $0xb8;
	[tilespmem:$0x18100] =	vst v63  }
0x4d: {  	_ = 	snop  }
0x4e: {  	[tilespmem:s29], [sflag:$0x1] =	stream.indirect_vreg.gather [hbm4b:s5+s2], $0x80, v4, vm0, $0xb8;
	[tilespmem:$0x18100] =	vst v63  }
0x4f: {  	_ = 	snop  }
0x50: {  	[tilespmem:s30], [sflag:$0x1] =	stream.indirect_vreg.gather [hbm4b:s3+s2], $0x80, v3, vm0, $0xb8;
	[tilespmem:$0x18100] =	vst v63  }
0x51: {  	_ = 	snop  }
0x52: {  	[tilespmem:s31], [sflag:$0x1] =	stream.indirect_vreg.gather [hbm4b:s4+s2], $0x80, v3, vm0, $0xb8;
	[tilespmem:$0x18100] =	vst v63  }
0x53: {  	s8 =	simm.s32 $0x8900  }
0x54: {  	[tilespmem:s8], [sflag:$0x1] =	stream.indirect_vreg.gather [hbm4b:s5+s2], $0x80, v3, vm0, $0xb8;
	[tilespmem:$0x18100] =	vst v63  }
0x55: {  	v3 =	vld [tilespmem:$0x30];
	_ =	sdelay $0x4  }
0x56: {  	v51 =	vshrl.u32 v3, $0x3  }
0x57: {  	v4 =	vmul.u32 $0x30, v51  }
0x58: {  	v3 =	vand.u32 $0x7, v3  }
0x59: {  	v3 =	vor.u32 v3, v4  }
0x5a: {  	v4 =	vperm.xlane v3, v0;
	_ =	sdelay $0x1  }
0x5b: {  	v4 =	vadd.s32 v1, v4;
	_ =	sdelay $0x3  }
0x5c: {  	s14 =	simm.s32 $0x9100;
	v3 =	vperm.xlane v3, v2  }
0x5d: {  	[tilespmem:s14], [sflag:$0x1] =	stream.indirect_vreg.gather [hbm4b:s3+s2], $0x80, v4, vm0, $0xb8;
	[tilespmem:$0x18100] =	vst v63  }
0x5e: {  	s1 =	simm.s32 $0x9900;
	v3 =	vadd.s32 v1, v3  }
0x5f: {  	[tilespmem:s1], [sflag:$0x1] =	stream.indirect_vreg.gather [hbm4b:s4+s2], $0x80, v4, vm0, $0xb8;
	[tilespmem:$0x18100] =	vst v63  }
0x60: {  	s8 =	simm.s32 $0xA100  }
0x61: {  	[tilespmem:s8], [sflag:$0x1] =	stream.indirect_vreg.gather [hbm4b:s5+s2], $0x80, v4, vm0, $0xb8;
	[tilespmem:$0x18100] =	vst v63  }
0x62: {  	_ = 	snop  }
0x63: {  	[tilespmem:s10], [sflag:$0x1] =	stream.indirect_vreg.gather [hbm4b:s3+s2], $0x80, v3, vm0, $0xb8;
	[tilespmem:$0x18100] =	vst v63  }
0x64: {  	s14 =	simm.s32 $0xB100  }
0x65: {  	[tilespmem:s14], [sflag:$0x1] =	stream.indirect_vreg.gather [hbm4b:s4+s2], $0x80, v3, vm0, $0xb8;
	[tilespmem:$0x18100] =	vst v63  }
0x66: {  	s1 =	simm.s32 $0xB900  }
0x67: {  	[tilespmem:s1], [sflag:$0x1] =	stream.indirect_vreg.gather [hbm4b:s5+s2], $0x80, v3, vm0, $0xb8;
	[tilespmem:$0x18100] =	vst v63  }
0x68: {  	s0 =	rddreg [dreg:$0x4];
	s8 =	simm.s32 $0x80  }
0x69: {  	[tilespmem:s8], [sflag:$0x5] =	stream.linear.gather [hbm4b:s0+s2], $0x40, $0x38;
	[tilespmem:$0x18100] =	vst v63  }
0x6a: {  	_ =	swait.ge [sflag:s7], $0x40  }
0x6b: {  	[sflag:s7] =	ssyncset.done $0x0  }
0x6c: {  	[sflag:s7] =	ssyncadd.s32 $0xFFFFFFC0  }
0x6d: {  	v3 =	vld [tilespmem:$0x80];
	_ =	sdelay $0x4  }
0x6e: {  	v52 =	vshrl.u32 v3, $0x3  }
0x6f: {  	v4 =	vmul.u32 $0x30, v52  }
0x70: {  	v3 =	vand.u32 $0x7, v3  }
0x71: {  	v3 =	vor.u32 v3, v4  }
0x72: {  	v4 =	vperm.xlane v3, v0;
	_ =	sdelay $0x1  }
0x73: {  	v4 =	vadd.s32 v1, v4;
	_ =	sdelay $0x3  }
0x74: {  	s0 =	simm.s32 $0xC100;
	v3 =	vperm.xlane v3, v2  }
0x75: {  	[tilespmem:s0], [sflag:$0x2] =	stream.indirect_vreg.gather [hbm4b:s3+s2], $0x80, v4, vm0, $0xb8;
	[tilespmem:$0x18100] =	vst v63  }
0x76: {  	s8 =	simm.s32 $0xC900;
	v3 =	vadd.s32 v1, v3  }
0x77: {  	[tilespmem:s8], [sflag:$0x2] =	stream.indirect_vreg.gather [hbm4b:s4+s2], $0x80, v4, vm0, $0xb8;
	[tilespmem:$0x18100] =	vst v63  }
0x78: {  	s14 =	simm.s32 $0xD100  }
0x79: {  	[tilespmem:s14], [sflag:$0x2] =	stream.indirect_vreg.gather [hbm4b:s5+s2], $0x80, v4, vm0, $0xb8;
	[tilespmem:$0x18100] =	vst v63  }
0x7a: {  	s14 =	simm.s32 $0xD900  }
0x7b: {  	[tilespmem:s14], [sflag:$0x2] =	stream.indirect_vreg.gather [hbm4b:s3+s2], $0x80, v3, vm0, $0xb8;
	[tilespmem:$0x18100] =	vst v63  }
0x7c: {  	s14 =	simm.s32 $0xE100  }
0x7d: {  	[tilespmem:s14], [sflag:$0x2] =	stream.indirect_vreg.gather [hbm4b:s4+s2], $0x80, v3, vm0, $0xb8;
	[tilespmem:$0x18100] =	vst v63  }
0x7e: {  	s14 =	simm.s32 $0xE900  }
0x7f: {  	[tilespmem:s14], [sflag:$0x2] =	stream.indirect_vreg.gather [hbm4b:s5+s2], $0x80, v3, vm0, $0xb8;
	[tilespmem:$0x18100] =	vst v63  }
0x80: {  	v3 =	vld [tilespmem:$0x90];
	_ =	sdelay $0x4  }
0x81: {  	v53 =	vshrl.u32 v3, $0x3  }
0x82: {  	v4 =	vmul.u32 $0x30, v53  }
0x83: {  	v3 =	vand.u32 $0x7, v3  }
0x84: {  	v3 =	vor.u32 v3, v4  }
0x85: {  	v4 =	vperm.xlane v3, v0;
	_ =	sdelay $0x1  }
0x86: {  	v4 =	vadd.s32 v1, v4;
	_ =	sdelay $0x3  }
0x87: {  	s14 =	simm.s32 $0xF100;
	v3 =	vperm.xlane v3, v2  }
0x88: {  	[tilespmem:s14], [sflag:$0x2] =	stream.indirect_vreg.gather [hbm4b:s3+s2], $0x80, v4, vm0, $0xb8;
	[tilespmem:$0x18100] =	vst v63  }
0x89: {  	v3 =	vadd.s32 v1, v3;
	s14 =	simm.s32 $0xF900  }
0x8a: {  	[tilespmem:s14], [sflag:$0x2] =	stream.indirect_vreg.gather [hbm4b:s4+s2], $0x80, v4, vm0, $0xb8;
	[tilespmem:$0x18100] =	vst v63  }
0x8b: {  	s14 =	simm.s32 $0x10100  }
0x8c: {  	[tilespmem:s14], [sflag:$0x2] =	stream.indirect_vreg.gather [hbm4b:s5+s2], $0x80, v4, vm0, $0xb8;
	[tilespmem:$0x18100] =	vst v63  }
0x8d: {  	s14 =	simm.s32 $0x10900  }
0x8e: {  	[tilespmem:s14], [sflag:$0x2] =	stream.indirect_vreg.gather [hbm4b:s3+s2], $0x80, v3, vm0, $0xb8;
	[tilespmem:$0x18100] =	vst v63  }
0x8f: {  	s14 =	simm.s32 $0x11100  }
0x90: {  	[tilespmem:s14], [sflag:$0x2] =	stream.indirect_vreg.gather [hbm4b:s4+s2], $0x80, v3, vm0, $0xb8;
	[tilespmem:$0x18100] =	vst v63  }
0x91: {  	s14 =	simm.s32 $0x11900  }
0x92: {  	[tilespmem:s14], [sflag:$0x2] =	stream.indirect_vreg.gather [hbm4b:s5+s2], $0x80, v3, vm0, $0xb8;
	[tilespmem:$0x18100] =	vst v63  }
0x93: {  	v3 =	vld [tilespmem:$0xA0];
	_ =	sdelay $0x4  }
0x94: {  	v54 =	vshrl.u32 v3, $0x3  }
0x95: {  	v4 =	vmul.u32 $0x30, v54  }
0x96: {  	v3 =	vand.u32 $0x7, v3  }
0x97: {  	v3 =	vor.u32 v3, v4  }
0x98: {  	v4 =	vperm.xlane v3, v0;
	_ =	sdelay $0x1  }
0x99: {  	v4 =	vadd.s32 v1, v4;
	_ =	sdelay $0x3  }
0x9a: {  	s14 =	simm.s32 $0x12100;
	v3 =	vperm.xlane v3, v2  }
0x9b: {  	[tilespmem:s14], [sflag:$0x2] =	stream.indirect_vreg.gather [hbm4b:s3+s2], $0x80, v4, vm0, $0xb8;
	[tilespmem:$0x18100] =	vst v63  }
0x9c: {  	v3 =	vadd.s32 v1, v3;
	s14 =	simm.s32 $0x12900  }
0x9d: {  	[tilespmem:s14], [sflag:$0x2] =	stream.indirect_vreg.gather [hbm4b:s4+s2], $0x80, v4, vm0, $0xb8;
	[tilespmem:$0x18100] =	vst v63  }
0x9e: {  	s14 =	simm.s32 $0x13100  }
0x9f: {  	[tilespmem:s14], [sflag:$0x2] =	stream.indirect_vreg.gather [hbm4b:s5+s2], $0x80, v4, vm0, $0xb8;
	[tilespmem:$0x18100] =	vst v63  }
0xa0: {  	s14 =	simm.s32 $0x13900  }
0xa1: {  	[tilespmem:s14], [sflag:$0x2] =	stream.indirect_vreg.gather [hbm4b:s3+s2], $0x80, v3, vm0, $0xb8;
	[tilespmem:$0x18100] =	vst v63  }
0xa2: {  	s14 =	simm.s32 $0x14100  }
0xa3: {  	[tilespmem:s14], [sflag:$0x2] =	stream.indirect_vreg.gather [hbm4b:s4+s2], $0x80, v3, vm0, $0xb8;
	[tilespmem:$0x18100] =	vst v63  }
0xa4: {  	s14 =	simm.s32 $0x14900  }
0xa5: {  	[tilespmem:s14], [sflag:$0x2] =	stream.indirect_vreg.gather [hbm4b:s5+s2], $0x80, v3, vm0, $0xb8;
	[tilespmem:$0x18100] =	vst v63  }
0xa6: {  	v3 =	vld [tilespmem:$0xB0];
	_ =	sdelay $0x4  }
0xa7: {  	v55 =	vshrl.u32 v3, $0x3  }
0xa8: {  	v4 =	vmul.u32 $0x30, v55  }
0xa9: {  	v3 =	vand.u32 $0x7, v3  }
0xaa: {  	v3 =	vor.u32 v3, v4  }
0xab: {  	v4 =	vperm.xlane v3, v0;
	_ =	sdelay $0x1  }
0xac: {  	v4 =	vadd.s32 v1, v4;
	_ =	sdelay $0x3  }
0xad: {  	s14 =	simm.s32 $0x15100;
	v3 =	vperm.xlane v3, v2  }
0xae: {  	[tilespmem:s14], [sflag:$0x2] =	stream.indirect_vreg.gather [hbm4b:s3+s2], $0x80, v4, vm0, $0xb8;
	[tilespmem:$0x18100] =	vst v63  }
0xaf: {  	v3 =	vadd.s32 v1, v3;
	s14 =	simm.s32 $0x15900  }
0xb0: {  	[tilespmem:s14], [sflag:$0x2] =	stream.indirect_vreg.gather [hbm4b:s4+s2], $0x80, v4, vm0, $0xb8;
	[tilespmem:$0x18100] =	vst v63  }
0xb1: {  	s14 =	simm.s32 $0x16100  }
0xb2: {  	[tilespmem:s14], [sflag:$0x2] =	stream.indirect_vreg.gather [hbm4b:s5+s2], $0x80, v4, vm0, $0xb8;
	[tilespmem:$0x18100] =	vst v63  }
0xb3: {  	s14 =	simm.s32 $0x16900  }
0xb4: {  	[tilespmem:s14], [sflag:$0x2] =	stream.indirect_vreg.gather [hbm4b:s3+s2], $0x80, v3, vm0, $0xb8;
	[tilespmem:$0x18100] =	vst v63  }
0xb5: {  	s14 =	simm.s32 $0x17100  }
0xb6: {  	[tilespmem:s14], [sflag:$0x2] =	stream.indirect_vreg.gather [hbm4b:s4+s2], $0x80, v3, vm0, $0xb8;
	[tilespmem:$0x18100] =	vst v63  }
0xb7: {  	s14 =	simm.s32 $0x17900  }
0xb8: {  	[tilespmem:s14], [sflag:$0x2] =	stream.indirect_vreg.gather [hbm4b:s5+s2], $0x80, v3, vm0, $0xb8;
	[tilespmem:$0x18100] =	vst v63  }
0xb9: {  	_ =	swait.ge [sflag:s11], $0xC000  }
0xba: {  	[sflag:s11] =	ssyncset.done $0x0  }
0xbb: {  	s8 =	simm.s32 $0x100;
	s14 =	rddreg [dreg:$0x5];
	[sflag:s11] =	ssyncadd.s32 $0xFFFF4000  }
0xbc: {  	[hbm4b:s14+s2] =	stream.linear.scatter [tilespmem:s8], [sflag:$0x3], $0xC000, $0x38;
	[tilespmem:$0x18100] =	vst v63  }
0xbd: {  	_ =	swait.ge [sflag:s9], $0xC000  }
0xbe: {  	[sflag:s9] =	ssyncset.done $0x0  }
0xbf: {  	s14 =	rddreg [dreg:$0x6];
	[sflag:s9] =	ssyncadd.s32 $0xFFFF4000  }
0xc0: {  	[tilespmem:s2], [sflag:$0x5] =	stream.linear.gather [hbm4b:s14+s2], $0x40, $0x38;
	[tilespmem:$0x18100] =	vst v63  }
0xc1: {  	_ =	swait.ge [sflag:s7], $0x40  }
0xc2: {  	[sflag:s7] =	ssyncset.done $0x0  }
0xc3: {  	[sflag:s7] =	ssyncadd.s32 $0xFFFFFFC0  }
0xc4: {  	v3 =	vld [tilespmem:$0x0];
	_ =	sdelay $0x4  }
0xc5: {  	v56 =	vshrl.u32 v3, $0x3  }
0xc6: {  	v4 =	vmul.u32 $0x30, v56  }
0xc7: {  	v3 =	vand.u32 $0x7, v3  }
0xc8: {  	v3 =	vor.u32 v3, v4  }
0xc9: {  	v4 =	vperm.xlane v3, v0;
	_ =	sdelay $0x1  }
0xca: {  	v4 =	vadd.s32 v1, v4;
	_ =	sdelay $0x3  }
0xcb: {  	v3 =	vperm.xlane v3, v2  }
0xcc: {  	[tilespmem:s8], [sflag:$0x1] =	stream.indirect_vreg.gather [hbm4b:s3+s2], $0x80, v4, vm0, $0xb8;
	[tilespmem:$0x18100] =	vst v63  }
0xcd: {  	v3 =	vadd.s32 v1, v3  }
0xce: {  	[tilespmem:s15], [sflag:$0x1] =	stream.indirect_vreg.gather [hbm4b:s4+s2], $0x80, v4, vm0, $0xb8;
	[tilespmem:$0x18100] =	vst v63  }
0xcf: {  	_ = 	snop  }
0xd0: {  	[tilespmem:s16], [sflag:$0x1] =	stream.indirect_vreg.gather [hbm4b:s5+s2], $0x80, v4, vm0, $0xb8;
	[tilespmem:$0x18100] =	vst v63  }
0xd1: {  	_ = 	snop  }
0xd2: {  	[tilespmem:s17], [sflag:$0x1] =	stream.indirect_vreg.gather [hbm4b:s3+s2], $0x80, v3, vm0, $0xb8;
	[tilespmem:$0x18100] =	vst v63  }
0xd3: {  	_ = 	snop  }
0xd4: {  	[tilespmem:s18], [sflag:$0x1] =	stream.indirect_vreg.gather [hbm4b:s4+s2], $0x80, v3, vm0, $0xb8;
	[tilespmem:$0x18100] =	vst v63  }
0xd5: {  	_ = 	snop  }
0xd6: {  	[tilespmem:s19], [sflag:$0x1] =	stream.indirect_vreg.gather [hbm4b:s5+s2], $0x80, v3, vm0, $0xb8;
	[tilespmem:$0x18100] =	vst v63  }
0xd7: {  	v3 =	vld [tilespmem:$0x10];
	_ =	sdelay $0x4  }
0xd8: {  	v57 =	vshrl.u32 v3, $0x3  }
0xd9: {  	v4 =	vmul.u32 $0x30, v57  }
0xda: {  	v3 =	vand.u32 $0x7, v3  }
0xdb: {  	v3 =	vor.u32 v3, v4  }
0xdc: {  	v4 =	vperm.xlane v3, v0;
	_ =	sdelay $0x1  }
0xdd: {  	v4 =	vadd.s32 v1, v4;
	_ =	sdelay $0x3  }
0xde: {  	v3 =	vperm.xlane v3, v2  }
0xdf: {  	[tilespmem:s20], [sflag:$0x1] =	stream.indirect_vreg.gather [hbm4b:s3+s2], $0x80, v4, vm0, $0xb8;
	[tilespmem:$0x18100] =	vst v63  }
0xe0: {  	v3 =	vadd.s32 v1, v3  }
0xe1: {  	[tilespmem:s21], [sflag:$0x1] =	stream.indirect_vreg.gather [hbm4b:s4+s2], $0x80, v4, vm0, $0xb8;
	[tilespmem:$0x18100] =	vst v63  }
0xe2: {  	_ = 	snop  }
0xe3: {  	[tilespmem:s22], [sflag:$0x1] =	stream.indirect_vreg.gather [hbm4b:s5+s2], $0x80, v4, vm0, $0xb8;
	[tilespmem:$0x18100] =	vst v63  }
0xe4: {  	_ = 	snop  }
0xe5: {  	[tilespmem:s23], [sflag:$0x1] =	stream.indirect_vreg.gather [hbm4b:s3+s2], $0x80, v3, vm0, $0xb8;
	[tilespmem:$0x18100] =	vst v63  }
0xe6: {  	_ = 	snop  }
0xe7: {  	[tilespmem:s24], [sflag:$0x1] =	stream.indirect_vreg.gather [hbm4b:s4+s2], $0x80, v3, vm0, $0xb8;
	[tilespmem:$0x18100] =	vst v63  }
0xe8: {  	_ = 	snop  }
0xe9: {  	[tilespmem:s25], [sflag:$0x1] =	stream.indirect_vreg.gather [hbm4b:s5+s2], $0x80, v3, vm0, $0xb8;
	[tilespmem:$0x18100] =	vst v63  }
0xea: {  	v3 =	vld [tilespmem:$0x20];
	_ =	sdelay $0x4  }
0xeb: {  	v58 =	vshrl.u32 v3, $0x3  }
0xec: {  	v4 =	vmul.u32 $0x30, v58  }
0xed: {  	v3 =	vand.u32 $0x7, v3  }
0xee: {  	v3 =	vor.u32 v3, v4  }
0xef: {  	v4 =	vperm.xlane v3, v0;
	_ =	sdelay $0x1  }
0xf0: {  	v4 =	vadd.s32 v1, v4;
	_ =	sdelay $0x3  }
0xf1: {  	v3 =	vperm.xlane v3, v2  }
0xf2: {  	[tilespmem:s26], [sflag:$0x1] =	stream.indirect_vreg.gather [hbm4b:s3+s2], $0x80, v4, vm0, $0xb8;
	[tilespmem:$0x18100] =	vst v63  }
0xf3: {  	v3 =	vadd.s32 v1, v3  }
0xf4: {  	[tilespmem:s28], [sflag:$0x1] =	stream.indirect_vreg.gather [hbm4b:s4+s2], $0x80, v4, vm0, $0xb8;
	[tilespmem:$0x18100] =	vst v63  }
0xf5: {  	_ = 	snop  }
0xf6: {  	[tilespmem:s29], [sflag:$0x1] =	stream.indirect_vreg.gather [hbm4b:s5+s2], $0x80, v4, vm0, $0xb8;
	[tilespmem:$0x18100] =	vst v63  }
0xf7: {  	_ = 	snop  }
0xf8: {  	[tilespmem:s30], [sflag:$0x1] =	stream.indirect_vreg.gather [hbm4b:s3+s2], $0x80, v3, vm0, $0xb8;
	[tilespmem:$0x18100] =	vst v63  }
0xf9: {  	_ = 	snop  }
0xfa: {  	[tilespmem:s31], [sflag:$0x1] =	stream.indirect_vreg.gather [hbm4b:s4+s2], $0x80, v3, vm0, $0xb8;
	[tilespmem:$0x18100] =	vst v63  }
0xfb: {  	s14 =	simm.s32 $0x8900  }
0xfc: {  	[tilespmem:s14], [sflag:$0x1] =	stream.indirect_vreg.gather [hbm4b:s5+s2], $0x80, v3, vm0, $0xb8;
	[tilespmem:$0x18100] =	vst v63  }
0xfd: {  	v3 =	vld [tilespmem:$0x30];
	_ =	sdelay $0x4  }
0xfe: {  	v59 =	vshrl.u32 v3, $0x3  }
0xff: {  	v4 =	vmul.u32 $0x30, v59  }
0x100: {  	v3 =	vand.u32 $0x7, v3  }
0x101: {  	v3 =	vor.u32 v3, v4  }
0x102: {  	v4 =	vperm.xlane v3, v0;
	_ =	sdelay $0x1  }
0x103: {  	v4 =	vadd.s32 v1, v4;
	_ =	sdelay $0x3  }
0x104: {  	s14 =	simm.s32 $0x9100;
	v3 =	vperm.xlane v3, v2  }
0x105: {  	[tilespmem:s14], [sflag:$0x1] =	stream.indirect_vreg.gather [hbm4b:s3+s2], $0x80, v4, vm0, $0xb8;
	[tilespmem:$0x18100] =	vst v63  }
0x106: {  	v3 =	vadd.s32 v1, v3;
	s14 =	simm.s32 $0x9900  }
0x107: {  	[tilespmem:s14], [sflag:$0x1] =	stream.indirect_vreg.gather [hbm4b:s4+s2], $0x80, v4, vm0, $0xb8;
	[tilespmem:$0x18100] =	vst v63  }
0x108: {  	s14 =	simm.s32 $0xA100  }
0x109: {  	[tilespmem:s14], [sflag:$0x1] =	stream.indirect_vreg.gather [hbm4b:s5+s2], $0x80, v4, vm0, $0xb8;
	[tilespmem:$0x18100] =	vst v63  }
0x10a: {  	_ = 	snop  }
0x10b: {  	[tilespmem:s10], [sflag:$0x1] =	stream.indirect_vreg.gather [hbm4b:s3+s2], $0x80, v3, vm0, $0xb8;
	[tilespmem:$0x18100] =	vst v63  }
0x10c: {  	s14 =	simm.s32 $0xB100  }
0x10d: {  	[tilespmem:s14], [sflag:$0x1] =	stream.indirect_vreg.gather [hbm4b:s4+s2], $0x80, v3, vm0, $0xb8;
	[tilespmem:$0x18100] =	vst v63  }
0x10e: {  	_ = 	snop  }
0x10f: {  	[tilespmem:s1], [sflag:$0x1] =	stream.indirect_vreg.gather [hbm4b:s5+s2], $0x80, v3, vm0, $0xb8;
	[tilespmem:$0x18100] =	vst v63  }
0x110: {  	_ =	swait.ge [sflag:s12], $0xC000  }
0x111: {  	[sflag:s12] =	ssyncset.done $0x0  }
0x112: {  	s8 =	rddreg [dreg:$0x7];
	[sflag:s12] =	ssyncadd.s32 $0xFFFF4000  }
0x113: {  	[hbm4b:s8+s2] =	stream.linear.scatter [tilespmem:s0], [sflag:$0x4], $0xC000, $0x38;
	[tilespmem:$0x18100] =	vst v63  }
0x114: {  	_ =	swait.ge [sflag:s13], $0xC000  }
0x115: {  	[sflag:s13] =	ssyncset.done $0x0  }
0x116: {  	s8 =	simm.s32 $0x80;
	s1 =	rddreg [dreg:$0x8];
	[sflag:s13] =	ssyncadd.s32 $0xFFFF4000  }
0x117: {  	[tilespmem:s8], [sflag:$0x5] =	stream.linear.gather [hbm4b:s1+s2], $0x40, $0x38;
	[tilespmem:$0x18100] =	vst v63  }
0x118: {  	_ =	swait.ge [sflag:s7], $0x40  }
0x119: {  	[sflag:s7] =	ssyncset.done $0x0  }
0x11a: {  	[sflag:s7] =	ssyncadd.s32 $0xFFFFFFC0  }
0x11b: {  	v3 =	vld [tilespmem:$0x80];
	_ =	sdelay $0x4  }
0x11c: {  	v60 =	vshrl.u32 v3, $0x3  }
0x11d: {  	v4 =	vmul.u32 $0x30, v60  }
0x11e: {  	v3 =	vand.u32 $0x7, v3  }
0x11f: {  	v3 =	vor.u32 v3, v4  }
0x120: {  	v4 =	vperm.xlane v3, v0;
	_ =	sdelay $0x1  }
0x121: {  	v4 =	vadd.s32 v1, v4;
	_ =	sdelay $0x3  }
0x122: {  	v3 =	vperm.xlane v3, v2  }
0x123: {  	[tilespmem:s0], [sflag:$0x2] =	stream.indirect_vreg.gather [hbm4b:s3+s2], $0x80, v4, vm0, $0xb8;
	[tilespmem:$0x18100] =	vst v63  }
0x124: {  	s14 =	simm.s32 $0xC900;
	v3 =	vadd.s32 v1, v3  }
0x125: {  	[tilespmem:s14], [sflag:$0x2] =	stream.indirect_vreg.gather [hbm4b:s4+s2], $0x80, v4, vm0, $0xb8;
	[tilespmem:$0x18100] =	vst v63  }
0x126: {  	s8 =	simm.s32 $0xD100  }
0x127: {  	[tilespmem:s8], [sflag:$0x2] =	stream.indirect_vreg.gather [hbm4b:s5+s2], $0x80, v4, vm0, $0xb8;
	[tilespmem:$0x18100] =	vst v63  }
0x128: {  	s14 =	simm.s32 $0xD900  }
0x129: {  	[tilespmem:s14], [sflag:$0x2] =	stream.indirect_vreg.gather [hbm4b:s3+s2], $0x80, v3, vm0, $0xb8;
	[tilespmem:$0x18100] =	vst v63  }
0x12a: {  	s8 =	simm.s32 $0xE100  }
0x12b: {  	[tilespmem:s8], [sflag:$0x2] =	stream.indirect_vreg.gather [hbm4b:s4+s2], $0x80, v3, vm0, $0xb8;
	[tilespmem:$0x18100] =	vst v63  }
0x12c: {  	s14 =	simm.s32 $0xE900  }
0x12d: {  	[tilespmem:s14], [sflag:$0x2] =	stream.indirect_vreg.gather [hbm4b:s5+s2], $0x80, v3, vm0, $0xb8;
	[tilespmem:$0x18100] =	vst v63  }
0x12e: {  	v3 =	vld [tilespmem:$0x90];
	_ =	sdelay $0x4  }
0x12f: {  	v61 =	vshrl.u32 v3, $0x3  }
0x130: {  	v4 =	vmul.u32 $0x30, v61  }
0x131: {  	v3 =	vand.u32 $0x7, v3  }
0x132: {  	v3 =	vor.u32 v3, v4  }
0x133: {  	v4 =	vperm.xlane v3, v0;
	_ =	sdelay $0x1  }
0x134: {  	v4 =	vadd.s32 v1, v4;
	_ =	sdelay $0x3  }
0x135: {  	s8 =	simm.s32 $0xF100;
	v3 =	vperm.xlane v3, v2  }
0x136: {  	[tilespmem:s8], [sflag:$0x2] =	stream.indirect_vreg.gather [hbm4b:s3+s2], $0x80, v4, vm0, $0xb8;
	[tilespmem:$0x18100] =	vst v63  }
0x137: {  	s14 =	simm.s32 $0xF900;
	v3 =	vadd.s32 v1, v3  }
0x138: {  	[tilespmem:s14], [sflag:$0x2] =	stream.indirect_vreg.gather [hbm4b:s4+s2], $0x80, v4, vm0, $0xb8;
	[tilespmem:$0x18100] =	vst v63  }
0x139: {  	s8 =	simm.s32 $0x10100  }
0x13a: {  	[tilespmem:s8], [sflag:$0x2] =	stream.indirect_vreg.gather [hbm4b:s5+s2], $0x80, v4, vm0, $0xb8;
	[tilespmem:$0x18100] =	vst v63  }
0x13b: {  	s14 =	simm.s32 $0x10900  }
0x13c: {  	[tilespmem:s14], [sflag:$0x2] =	stream.indirect_vreg.gather [hbm4b:s3+s2], $0x80, v3, vm0, $0xb8;
	[tilespmem:$0x18100] =	vst v63  }
0x13d: {  	s8 =	simm.s32 $0x11100  }
0x13e: {  	[tilespmem:s8], [sflag:$0x2] =	stream.indirect_vreg.gather [hbm4b:s4+s2], $0x80, v3, vm0, $0xb8;
	[tilespmem:$0x18100] =	vst v63  }
0x13f: {  	s14 =	simm.s32 $0x11900  }
0x140: {  	[tilespmem:s14], [sflag:$0x2] =	stream.indirect_vreg.gather [hbm4b:s5+s2], $0x80, v3, vm0, $0xb8;
	[tilespmem:$0x18100] =	vst v63  }
0x141: {  	v3 =	vld [tilespmem:$0xA0];
	_ =	sdelay $0x4  }
0x142: {  	v62 =	vshrl.u32 v3, $0x3  }
0x143: {  	v4 =	vmul.u32 $0x30, v62  }
0x144: {  	v3 =	vand.u32 $0x7, v3  }
0x145: {  	v3 =	vor.u32 v3, v4  }
0x146: {  	v4 =	vperm.xlane v3, v0;
	_ =	sdelay $0x1  }
0x147: {  	v4 =	vadd.s32 v1, v4;
	_ =	sdelay $0x3  }
0x148: {  	s8 =	simm.s32 $0x12100;
	v3 =	vperm.xlane v3, v2  }
0x149: {  	[tilespmem:s8], [sflag:$0x2] =	stream.indirect_vreg.gather [hbm4b:s3+s2], $0x80, v4, vm0, $0xb8;
	[tilespmem:$0x18100] =	vst v63  }
0x14a: {  	s14 =	simm.s32 $0x12900;
	v3 =	vadd.s32 v1, v3  }
0x14b: {  	[tilespmem:s14], [sflag:$0x2] =	stream.indirect_vreg.gather [hbm4b:s4+s2], $0x80, v4, vm0, $0xb8;
	[tilespmem:$0x18100] =	vst v63  }
0x14c: {  	s8 =	simm.s32 $0x13100  }
0x14d: {  	[tilespmem:s8], [sflag:$0x2] =	stream.indirect_vreg.gather [hbm4b:s5+s2], $0x80, v4, vm0, $0xb8;
	[tilespmem:$0x18100] =	vst v63  }
0x14e: {  	s14 =	simm.s32 $0x13900  }
0x14f: {  	[tilespmem:s14], [sflag:$0x2] =	stream.indirect_vreg.gather [hbm4b:s3+s2], $0x80, v3, vm0, $0xb8;
	[tilespmem:$0x18100] =	vst v63  }
0x150: {  	s8 =	simm.s32 $0x14100  }
0x151: {  	[tilespmem:s8], [sflag:$0x2] =	stream.indirect_vreg.gather [hbm4b:s4+s2], $0x80, v3, vm0, $0xb8;
	[tilespmem:$0x18100] =	vst v63  }
0x152: {  	s14 =	simm.s32 $0x14900  }
0x153: {  	[tilespmem:s14], [sflag:$0x2] =	stream.indirect_vreg.gather [hbm4b:s5+s2], $0x80, v3, vm0, $0xb8;
	[tilespmem:$0x18100] =	vst v63  }
0x154: {  	v3 =	vld [tilespmem:$0xB0];
	_ =	sdelay $0x4  }
0x155: {  	v63 =	vshrl.u32 v3, $0x3  }
0x156: {  	v4 =	vmul.u32 $0x30, v63  }
0x157: {  	v3 =	vand.u32 $0x7, v3  }
0x158: {  	v3 =	vor.u32 v3, v4  }
0x159: {  	v4 =	vperm.xlane v3, v0;
	_ =	sdelay $0x1  }
0x15a: {  	v4 =	vadd.s32 v1, v4;
	_ =	sdelay $0x3  }
0x15b: {  	s8 =	simm.s32 $0x15100;
	v3 =	vperm.xlane v3, v2  }
0x15c: {  	[tilespmem:s8], [sflag:$0x2] =	stream.indirect_vreg.gather [hbm4b:s3+s2], $0x80, v4, vm0, $0xb8;
	[tilespmem:$0x18100] =	vst v63  }
0x15d: {  	s14 =	simm.s32 $0x15900;
	v3 =	vadd.s32 v1, v3  }
0x15e: {  	[tilespmem:s14], [sflag:$0x2] =	stream.indirect_vreg.gather [hbm4b:s4+s2], $0x80, v4, vm0, $0xb8;
	[tilespmem:$0x18100] =	vst v63  }
0x15f: {  	s8 =	simm.s32 $0x16100  }
0x160: {  	[tilespmem:s8], [sflag:$0x2] =	stream.indirect_vreg.gather [hbm4b:s5+s2], $0x80, v4, vm0, $0xb8;
	[tilespmem:$0x18100] =	vst v63  }
0x161: {  	s14 =	simm.s32 $0x16900  }
0x162: {  	[tilespmem:s14], [sflag:$0x2] =	stream.indirect_vreg.gather [hbm4b:s3+s2], $0x80, v3, vm0, $0xb8;
	[tilespmem:$0x18100] =	vst v63  }
0x163: {  	s8 =	simm.s32 $0x17100  }
0x164: {  	[tilespmem:s8], [sflag:$0x2] =	stream.indirect_vreg.gather [hbm4b:s4+s2], $0x80, v3, vm0, $0xb8;
	[tilespmem:$0x18100] =	vst v63  }
0x165: {  	s14 =	simm.s32 $0x17900  }
0x166: {  	[tilespmem:s14], [sflag:$0x2] =	stream.indirect_vreg.gather [hbm4b:s5+s2], $0x80, v3, vm0, $0xb8;
	[tilespmem:$0x18100] =	vst v63  }
0x167: {  	_ =	swait.ge [sflag:s11], $0xC000  }
0x168: {  	[sflag:s11] =	ssyncset.done $0x0  }
0x169: {  	s8 =	simm.s32 $0x100;
	s1 =	rddreg [dreg:$0x9];
	[sflag:s11] =	ssyncadd.s32 $0xFFFF4000  }
0x16a: {  	[hbm4b:s1+s2] =	stream.linear.scatter [tilespmem:s8], [sflag:$0x3], $0xC000, $0x38;
	[tilespmem:$0x18100] =	vst v63  }
0x16b: {  	_ =	swait.ge [sflag:s12], $0xC000  }
0x16c: {  	[sflag:s12] =	ssyncset.done $0x0  }
0x16d: {  	s8 =	rddreg [dreg:$0xa];
	[sflag:s12] =	ssyncadd.s32 $0xFFFF4000  }
0x16e: {  	[hbm4b:s8+s2] =	stream.linear.scatter [tilespmem:s0], [sflag:$0x4], $0xC000, $0x38;
	[tilespmem:$0x18100] =	vst v63  }
0x16f: {  	p0 =	sne.s32 s6, $0x1;
	_ =	swait.ge [sflag:s9], $0xC000  }
.Ltmp0:
0x170: {  	[sflag:s9] =	ssyncset.done $0x0;
	(pc) =	sbr.rel @p0 .LBB2_1-.Ltmp0, $4  }
0x171: {  	[sflag:s9] =	ssyncadd.s32 $0xFFFF4000  }
0x172: {  	_ =	swait.ge [sflag:s13], $0xC000  }
0x173: {  	[sflag:s13] =	ssyncset.done $0x0  }
0x174: {  	s6 =	sadd.s32 $0xFFFFFFFF, s6;
	[sflag:s13] =	ssyncadd.s32 $0xFFFF4000  }
0x175: {  	_ =	sfence.sel $0x180000  }
0x176: {  	[bflag:$0x0] =	sbarrier.arrive $0xFFFF  }
0x177: {  	_ =	strace $0x9000004A  }
0x178: {  	s0 =	stileid.u32;
	[bflag:$0x2] =	sbarrier.arrive $0xFFFF  }
0x179: {  	p0 =	sne.s32 s0, $0x0;
	s0 =	rddreg [dreg:$0x2]  }
0x17a: {  	s0 =	sadd.s32 @!p0 $0x100000, s0  }
0x17b: {  	[sflag:s0] =	ssyncadd.tile.s32 @!p0 $0x1;
	_ =	shalt  }
.Lfunc_end2:
_tile_overlayer_lowered:
.L_overlay_start_2:
0x17c: {  	(tag) =	ssettag $0x2  }
0x17d: {  	s0 =	rddreg [dreg:$0x0];
	s2 =	stileid.u32  }
0x17e: {  	s1 =	rddreg [dreg:$0x1];
	p0 =	sne.s32 s2, $0x0  }
0x17f: {  	s3 =	rddreg [dreg:$0x2];
	[bflag:$0x3] =	sbarrier.arrive $0xFFFF;
	s2 =	simm.s32 @!p0 $0x1C05  }
0x180: {  	[timem:s3], [sflag:s2] =	dma.local @!p0 [hbm:s0], s1  }
0x181: {  	s0 =	simm.s32 @!p0 $0x5  }
0x182: {  	_ =	swait.ge @!p0 [sflag:s0], s1  }
0x183: {  	s1 =	ssub.s32 @!p0 $0x0, s1;
	[sflag:s0] =	ssyncset.done @!p0 $0x0  }
0x184: {  	[sflag:s0] =	ssyncadd.s32 @!p0 s1  }
0x185: {  	[bflag:$0x3] =	sbarrier.arrive $0xFFFF  }
0x186: {  	_ =	shalt  }

</sc_bundles>
